<compile_context>
chip_gen: v7x
topology: tpu7x:2x2x1
jax: 0.10.2.dev20260603
libtpu: 0.0.44.dev20260713+nightly
codegen_flags: <defaults>
</compile_context>

<pallas_src>
import functools

import jax
import jax.numpy as jnp
from jax import lax
from jax.experimental import pallas as pl
from jax.experimental.pallas import tpu as pltpu
from jax.experimental.pallas import tpu_sc as plsc

NUM_CORES = 2
NUM_SUBCORES = 16
NUM_WORKERS = NUM_CORES * NUM_SUBCORES
LANES = 16
CHUNK = 100
KUNROLL = 8


def _make_sc_kernel(B, S, V, E):
    per_seq = S // CHUNK
    num_chunks = B * per_seq
    assert S % CHUNK == 0 and E % LANES == 0
    assert num_chunks % (NUM_WORKERS * KUNROLL) == 0
    cpw = num_chunks // NUM_WORKERS

    mesh = plsc.VectorSubcoreMesh(core_axis_name="c", subcore_axis_name="s")

    @functools.partial(
        pl.kernel,
        mesh=mesh,
        out_type=jax.ShapeDtypeStruct((B, S, E), jnp.float32),
        compiler_params=pltpu.CompilerParams(use_tc_tiling_on_sc=False),
        scratch_types=[
            pltpu.VMEM((cpw, CHUNK), jnp.int32),
            pltpu.VMEM((S, E), jnp.float32),
            pltpu.VMEM((KUNROLL, CHUNK, E), jnp.float32),
        ]
        + [pltpu.SemaphoreType.DMA] * (2 * KUNROLL),
    )
    def k(ids_hbm, tok_hbm, pos_hbm, out_hbm, idx_v, pos_v, gbuf, *sems):
        sid = lax.axis_index("s")
        wid = sid * NUM_CORES + lax.axis_index("c")
        gsem = sems[:KUNROLL]
        osem = sems[KUNROLL:]
        gv = [gbuf.at[b] for b in range(KUNROLL)]

        pltpu.sync_copy(ids_hbm.at[pl.ds(wid * cpw, cpw)], idx_v)
        pltpu.sync_copy(pos_hbm.at[pl.ds(0, S)], pos_v)

        def outcp(t, b):
            g = wid * cpw + t
            seq = lax.div(g, per_seq)
            half = lax.rem(g, per_seq)
            dst = out_hbm.at[seq, pl.ds(half * CHUNK, CHUNK)]
            return gv[b], dst, osem[b]

        @pl.loop(0, cpw, step=KUNROLL)
        def _(i):
            for b in range(KUNROLL):

                @pl.when(i > 0)
                def _():
                    pltpu.make_async_copy(*outcp(i - KUNROLL + b, b)).wait()

            gds = [
                pltpu.async_copy(tok_hbm.at[idx_v.at[i + b]], gv[b], gsem[b])
                for b in range(KUNROLL)
            ]

            for b in range(KUNROLL):
                t = i + b
                gds[b].wait()
                poff = (b % per_seq) * CHUNK

                @pl.loop(0, CHUNK)
                def _(r):
                    for c in range(E // LANES):
                        sl = pl.ds(c * LANES, LANES)
                        plsc.addupdate(gv[b].at[r, sl], pos_v[poff + r, sl])

                pltpu.async_copy(*outcp(t, b))

        for u in range(cpw - KUNROLL, cpw):
            pltpu.make_async_copy(*outcp(u, u % KUNROLL)).wait()

    return k


def kernel(input_ids, token_table, position_table):
    B, S = input_ids.shape
    V, E = token_table.shape
    ids = input_ids.astype(jnp.int32).reshape(-1, CHUNK)
    sc = _make_sc_kernel(B, S, V, E)
    return sc(ids, token_table, position_table)

# --- scband reference (transcript-rebuilt; emitter-appended) ---
"""Pipeline reference for scband-scratch-gptembedding-18425409699890 (READ-ONLY COPY).

The authoritative reference and input builder live on the scoring server;
editing this copy changes nothing except your own understanding.
"""

import jax, jax.numpy as jnp
import numpy as np

VOCAB = 1000000
EMBED = 64
CTX = 2048
B = 4096
S = 200

def setup_inputs(seed: int = 0) -> dict:
    key = jax.random.key(seed)
    k1, k2, k3 = jax.random.split(key, 3)
    input_ids = jax.random.randint(k1, (B, S), 0, VOCAB, dtype=jnp.int64 if jax.config.jax_enable_x64 else jnp.int32)
    token_table = jax.random.normal(k2, (VOCAB, EMBED), dtype=jnp.float32) * 0.02
    position_table = jax.random.normal(k3, (CTX, EMBED), dtype=jnp.float32) * 0.02
    return {"input_ids": input_ids, "token_table": token_table, "position_table": position_table}

def reference(input_ids, token_table, position_table):
    # token embedding lookup (gather)
    token_embeddings = jnp.take(token_table, input_ids, axis=0)  # [B, S, E]
    num_tokens = input_ids.shape[1]
    positions = jnp.arange(num_tokens)
    position_embeddings = jnp.take(position_table, positions, axis=0)  # [S, E]
    embeddings = token_embeddings + position_embeddings[None, :, :]
    # dropout p=0.0 (eval / no-op)
    return embeddings

if __name__ == "__main__":
    import jax
    _d = setup_inputs()
    print(jax.jit(kernel)(*tuple(_d.values())))

</pallas_src>

<mosaic_0001>
#map = affine_map<(d0, d1) -> (0, 0)>
#map1 = affine_map<(d0, d1) -> (0, 0, 0)>
module attributes {stable_mosaic.version = 14 : i64} {
  func.func @k(%arg0: i32, %arg1: i32, %arg2: memref<8192x100xi32, #tpu.memory_space<hbm>>, %arg3: memref<1000000x64xf32, #tpu.memory_space<hbm>>, %arg4: memref<2048x64xf32, #tpu.memory_space<hbm>>, %arg5: memref<4096x200x64xf32, #tpu.memory_space<hbm>>, %arg6: memref<256x100xi32, #tpu.memory_space<vmem>>, %arg7: memref<200x64xf32, #tpu.memory_space<vmem>>, %arg8: memref<8x100x64xf32, #tpu.memory_space<vmem>>, %arg9: memref<!tpu.dma_semaphore, #tpu.memory_space<semaphore_mem>>, %arg10: memref<!tpu.dma_semaphore, #tpu.memory_space<semaphore_mem>>, %arg11: memref<!tpu.dma_semaphore, #tpu.memory_space<semaphore_mem>>, %arg12: memref<!tpu.dma_semaphore, #tpu.memory_space<semaphore_mem>>, %arg13: memref<!tpu.dma_semaphore, #tpu.memory_space<semaphore_mem>>, %arg14: memref<!tpu.dma_semaphore, #tpu.memory_space<semaphore_mem>>, %arg15: memref<!tpu.dma_semaphore, #tpu.memory_space<semaphore_mem>>, %arg16: memref<!tpu.dma_semaphore, #tpu.memory_space<semaphore_mem>>, %arg17: memref<!tpu.dma_semaphore, #tpu.memory_space<semaphore_mem>>, %arg18: memref<!tpu.dma_semaphore, #tpu.memory_space<semaphore_mem>>, %arg19: memref<!tpu.dma_semaphore, #tpu.memory_space<semaphore_mem>>, %arg20: memref<!tpu.dma_semaphore, #tpu.memory_space<semaphore_mem>>, %arg21: memref<!tpu.dma_semaphore, #tpu.memory_space<semaphore_mem>>, %arg22: memref<!tpu.dma_semaphore, #tpu.memory_space<semaphore_mem>>, %arg23: memref<!tpu.dma_semaphore, #tpu.memory_space<semaphore_mem>>, %arg24: memref<!tpu.dma_semaphore, #tpu.memory_space<semaphore_mem>>) attributes {dimension_semantics = [#tpu.dimension_semantics<core_parallel>, #tpu.dimension_semantics<subcore_parallel>], iteration_bounds = array<i64: 2, 16>, scalar_prefetch = 0 : i64, scratch_operands = 19 : i64, tpu.core_type = #tpu.core_type<sc_vector_subcore>, window_params = [{transform_indices = #map}, {transform_indices = #map}, {transform_indices = #map}, {transform_indices = #map1}]} {
    %mul3A = arith.constant 2 : i32
    %mul3A_0 = arith.muli %arg1, %mul3A : i32
    %add3A = arith.addi %mul3A_0, %arg0 : i32
    %mul3A_1 = arith.constant 256 : i32
    %mul3A_2 = arith.muli %add3A, %mul3A_1 : i32
    "tpu.region"() ({
      %run_scoped3A = tpu.sem_alloc : memref<!tpu.dma_semaphore, #tpu.memory_space<semaphore_mem>>
      %dma_start3A = arith.constant 0 : i32
      %dma_start3A_212 = tpu.memref_slice %arg2[%mul3A_2, %dma_start3A] : memref<8192x100xi32, #tpu.memory_space<hbm>> -> memref<256x100xi32, #tpu.memory_space<hbm>>
      %dma_start3A_213 = arith.constant 0 : i32
      %dma_start3A_214 = tpu.memref_slice %arg2[%mul3A_2, %dma_start3A_213] : memref<8192x100xi32, #tpu.memory_space<hbm>> -> memref<256x100xi32, #tpu.memory_space<hbm>>
      tpu.enqueue_dma source(%dma_start3A_214 : memref<256x100xi32, #tpu.memory_space<hbm>>) target(%arg6 : memref<256x100xi32, #tpu.memory_space<vmem>>) target_semaphore(%run_scoped3A : memref<!tpu.dma_semaphore, #tpu.memory_space<semaphore_mem>>)
      %dma_wait3A_215 = arith.constant 0 : i32
      %dma_wait3A_216 = tpu.memref_slice %arg2[%mul3A_2, %dma_wait3A_215] : memref<8192x100xi32, #tpu.memory_space<hbm>> -> memref<256x100xi32, #tpu.memory_space<hbm>>
      %dma_wait3A_217 = arith.constant 0 : i32
      %dma_wait3A_218 = tpu.memref_slice %arg2[%mul3A_2, %dma_wait3A_217] : memref<8192x100xi32, #tpu.memory_space<hbm>> -> memref<256x100xi32, #tpu.memory_space<hbm>>
      tpu.wait_dma2 semaphore(%run_scoped3A : memref<!tpu.dma_semaphore, #tpu.memory_space<semaphore_mem>>) src(%dma_wait3A_218 : memref<256x100xi32, #tpu.memory_space<hbm>>) dst(%arg6 : memref<256x100xi32, #tpu.memory_space<vmem>>)
      tpu.yield
    }) : () -> ()
    "tpu.region"() ({
      %run_scoped3A = tpu.sem_alloc : memref<!tpu.dma_semaphore, #tpu.memory_space<semaphore_mem>>
      %dma_start3A = arith.constant 0 : i32
      %dma_start3A_212 = arith.constant 0 : i32
      %dma_start3A_213 = tpu.memref_slice %arg4[%dma_start3A, %dma_start3A_212] : memref<2048x64xf32, #tpu.memory_space<hbm>> -> memref<200x64xf32, #tpu.memory_space<hbm>>
      %dma_start3A_214 = arith.constant 0 : i32
      %dma_start3A_215 = arith.constant 0 : i32
      %dma_start3A_216 = tpu.memref_slice %arg4[%dma_start3A_214, %dma_start3A_215] : memref<2048x64xf32, #tpu.memory_space<hbm>> -> memref<200x64xf32, #tpu.memory_space<hbm>>
      tpu.enqueue_dma source(%dma_start3A_216 : memref<200x64xf32, #tpu.memory_space<hbm>>) target(%arg7 : memref<200x64xf32, #tpu.memory_space<vmem>>) target_semaphore(%run_scoped3A : memref<!tpu.dma_semaphore, #tpu.memory_space<semaphore_mem>>)
      %dma_wait3A_217 = arith.constant 0 : i32
      %dma_wait3A_218 = arith.constant 0 : i32
      %dma_wait3A_219 = tpu.memref_slice %arg4[%dma_wait3A_217, %dma_wait3A_218] : memref<2048x64xf32, #tpu.memory_space<hbm>> -> memref<200x64xf32, #tpu.memory_space<hbm>>
      %dma_wait3A_220 = arith.constant 0 : i32
      %dma_wait3A_221 = arith.constant 0 : i32
      %dma_wait3A_222 = tpu.memref_slice %arg4[%dma_wait3A_220, %dma_wait3A_221] : memref<2048x64xf32, #tpu.memory_space<hbm>> -> memref<200x64xf32, #tpu.memory_space<hbm>>
      tpu.wait_dma2 semaphore(%run_scoped3A : memref<!tpu.dma_semaphore, #tpu.memory_space<semaphore_mem>>) src(%dma_wait3A_222 : memref<200x64xf32, #tpu.memory_space<hbm>>) dst(%arg7 : memref<200x64xf32, #tpu.memory_space<vmem>>)
      tpu.yield
    }) : () -> ()
    %scan3A = arith.constant 0 : i32
    %scan3A_3 = arith.constant 1 : i32
    %scan3A_4 = arith.constant 2 : i32
    %scan3A_5 = arith.constant 3 : i32
    %scan3A_6 = arith.constant 4 : i32
    %scan3A_7 = arith.constant 5 : i32
    %scan3A_8 = arith.constant 6 : i32
    %scan3A_9 = arith.constant 7 : i32
    %scan3A_10 = arith.constant 0 : i32
    %scan3A_11 = arith.constant 32 : i32
    %scan3A_12 = arith.addi %scan3A_10, %scan3A_11 : i32
    %scan3A_13 = arith.constant 1 : i32
    scf.for %scan3A_212 = %scan3A_10 to %scan3A_12 step %scan3A_13  : i32 {
      %mul3A_213 = arith.constant 8 : i32
      %mul3A_214 = arith.muli %scan3A_212, %mul3A_213 : i32
      %add3A_215 = arith.constant 0 : i32
      %add3A_216 = arith.addi %add3A_215, %mul3A_214 : i32
      %gt3A = arith.constant 0 : i32
      %gt3A_217 = arith.cmpi sgt, %add3A_216, %gt3A : i32
      %convert_element_type3A = arith.extui %gt3A_217 : i1 to i32
      %cond3A = arith.constant 0 : i32
      %cond3A_218 = arith.cmpi ne, %convert_element_type3A, %cond3A : i32
      scf.if %cond3A_218 {
        %sub3A = arith.constant 8 : i32
        %sub3A_669 = arith.subi %add3A_216, %sub3A : i32
        %add3A_670 = arith.constant 0 : i32
        %add3A_671 = arith.addi %sub3A_669, %add3A_670 : i32
        %mul3A_672 = arith.constant 256 : i32
        %mul3A_673 = arith.muli %add3A, %mul3A_672 : i32
        %add3A_674 = arith.addi %mul3A_673, %add3A_671 : i32
        %div3A_675 = arith.constant 2 : i32
        %div3A_676 = arith.divsi %add3A_674, %div3A_675 : i32
        %rem3A_677 = arith.constant 2 : i32
        %rem3A_678 = arith.remsi %add3A_674, %rem3A_677 : i32
        %mul3A_679 = arith.constant 100 : i32
        %mul3A_680 = arith.muli %rem3A_678, %mul3A_679 : i32
        %dma_wait3A_681 = arith.constant 0 : i32
        %dma_wait3A_682 = arith.constant 0 : i32
        %dma_wait3A_683 = tpu.memref_slice %arg8[%scan3A, %dma_wait3A_681, %dma_wait3A_682] : memref<8x100x64xf32, #tpu.memory_space<vmem>> -> memref<1x100x64xf32, #tpu.memory_space<vmem>>
        %dma_wait3A_684 = tpu.memref_squeeze %dma_wait3A_683 : memref<1x100x64xf32, #tpu.memory_space<vmem>> -> memref<100x64xf32, #tpu.memory_space<vmem>>
        %dma_wait3A_685 = arith.constant 0 : i32
        %dma_wait3A_686 = tpu.memref_slice %arg5[%div3A_676, %mul3A_680, %dma_wait3A_685] : memref<4096x200x64xf32, #tpu.memory_space<hbm>> -> memref<1x100x64xf32, #tpu.memory_space<hbm>>
        %dma_wait3A_687 = tpu.memref_squeeze %dma_wait3A_686 : memref<1x100x64xf32, #tpu.memory_space<hbm>> -> memref<100x64xf32, #tpu.memory_space<hbm>>
        %dma_wait3A_688 = arith.constant 0 : i32
        %dma_wait3A_689 = tpu.memref_slice %arg5[%div3A_676, %mul3A_680, %dma_wait3A_688] : memref<4096x200x64xf32, #tpu.memory_space<hbm>> -> memref<1x100x64xf32, #tpu.memory_space<hbm>>
        %dma_wait3A_690 = tpu.memref_squeeze %dma_wait3A_689 : memref<1x100x64xf32, #tpu.memory_space<hbm>> -> memref<100x64xf32, #tpu.memory_space<hbm>>
        %dma_wait3A_691 = arith.constant 0 : i32
        %dma_wait3A_692 = arith.constant 0 : i32
        %dma_wait3A_693 = tpu.memref_slice %arg8[%scan3A, %dma_wait3A_691, %dma_wait3A_692] : memref<8x100x64xf32, #tpu.memory_space<vmem>> -> memref<1x100x64xf32, #tpu.memory_space<vmem>>
        %dma_wait3A_694 = tpu.memref_squeeze %dma_wait3A_693 : memref<1x100x64xf32, #tpu.memory_space<vmem>> -> memref<100x64xf32, #tpu.memory_space<vmem>>
        tpu.wait_dma2 semaphore(%arg17 : memref<!tpu.dma_semaphore, #tpu.memory_space<semaphore_mem>>) src(%dma_wait3A_694 : memref<100x64xf32, #tpu.memory_space<vmem>>) dst(%dma_wait3A_690 : memref<100x64xf32, #tpu.memory_space<hbm>>)
      } else {
      }
      %gt3A_219 = arith.constant 0 : i32
      %gt3A_220 = arith.cmpi sgt, %add3A_216, %gt3A_219 : i32
      %convert_element_type3A_221 = arith.extui %gt3A_220 : i1 to i32
      %cond3A_222 = arith.constant 0 : i32
      %cond3A_223 = arith.cmpi ne, %convert_element_type3A_221, %cond3A_222 : i32
      scf.if %cond3A_223 {
        %sub3A = arith.constant 8 : i32
        %sub3A_669 = arith.subi %add3A_216, %sub3A : i32
        %add3A_670 = arith.constant 1 : i32
        %add3A_671 = arith.addi %sub3A_669, %add3A_670 : i32
        %mul3A_672 = arith.constant 256 : i32
        %mul3A_673 = arith.muli %add3A, %mul3A_672 : i32
        %add3A_674 = arith.addi %mul3A_673, %add3A_671 : i32
        %div3A_675 = arith.constant 2 : i32
        %div3A_676 = arith.divsi %add3A_674, %div3A_675 : i32
        %rem3A_677 = arith.constant 2 : i32
        %rem3A_678 = arith.remsi %add3A_674, %rem3A_677 : i32
        %mul3A_679 = arith.constant 100 : i32
        %mul3A_680 = arith.muli %rem3A_678, %mul3A_679 : i32
        %dma_wait3A_681 = arith.constant 0 : i32
        %dma_wait3A_682 = arith.constant 0 : i32
        %dma_wait3A_683 = tpu.memref_slice %arg8[%scan3A_3, %dma_wait3A_681, %dma_wait3A_682] : memref<8x100x64xf32, #tpu.memory_space<vmem>> -> memref<1x100x64xf32, #tpu.memory_space<vmem>>
        %dma_wait3A_684 = tpu.memref_squeeze %dma_wait3A_683 : memref<1x100x64xf32, #tpu.memory_space<vmem>> -> memref<100x64xf32, #tpu.memory_space<vmem>>
        %dma_wait3A_685 = arith.constant 0 : i32
        %dma_wait3A_686 = tpu.memref_slice %arg5[%div3A_676, %mul3A_680, %dma_wait3A_685] : memref<4096x200x64xf32, #tpu.memory_space<hbm>> -> memref<1x100x64xf32, #tpu.memory_space<hbm>>
        %dma_wait3A_687 = tpu.memref_squeeze %dma_wait3A_686 : memref<1x100x64xf32, #tpu.memory_space<hbm>> -> memref<100x64xf32, #tpu.memory_space<hbm>>
        %dma_wait3A_688 = arith.constant 0 : i32
        %dma_wait3A_689 = tpu.memref_slice %arg5[%div3A_676, %mul3A_680, %dma_wait3A_688] : memref<4096x200x64xf32, #tpu.memory_space<hbm>> -> memref<1x100x64xf32, #tpu.memory_space<hbm>>
        %dma_wait3A_690 = tpu.memref_squeeze %dma_wait3A_689 : memref<1x100x64xf32, #tpu.memory_space<hbm>> -> memref<100x64xf32, #tpu.memory_space<hbm>>
        %dma_wait3A_691 = arith.constant 0 : i32
        %dma_wait3A_692 = arith.constant 0 : i32
        %dma_wait3A_693 = tpu.memref_slice %arg8[%scan3A_3, %dma_wait3A_691, %dma_wait3A_692] : memref<8x100x64xf32, #tpu.memory_space<vmem>> -> memref<1x100x64xf32, #tpu.memory_space<vmem>>
        %dma_wait3A_694 = tpu.memref_squeeze %dma_wait3A_693 : memref<1x100x64xf32, #tpu.memory_space<vmem>> -> memref<100x64xf32, #tpu.memory_space<vmem>>
        tpu.wait_dma2 semaphore(%arg18 : memref<!tpu.dma_semaphore, #tpu.memory_space<semaphore_mem>>) src(%dma_wait3A_694 : memref<100x64xf32, #tpu.memory_space<vmem>>) dst(%dma_wait3A_690 : memref<100x64xf32, #tpu.memory_space<hbm>>)
      } else {
      }
      %gt3A_224 = arith.constant 0 : i32
      %gt3A_225 = arith.cmpi sgt, %add3A_216, %gt3A_224 : i32
      %convert_element_type3A_226 = arith.extui %gt3A_225 : i1 to i32
      %cond3A_227 = arith.constant 0 : i32
      %cond3A_228 = arith.cmpi ne, %convert_element_type3A_226, %cond3A_227 : i32
      scf.if %cond3A_228 {
        %sub3A = arith.constant 8 : i32
        %sub3A_669 = arith.subi %add3A_216, %sub3A : i32
        %add3A_670 = arith.constant 2 : i32
        %add3A_671 = arith.addi %sub3A_669, %add3A_670 : i32
        %mul3A_672 = arith.constant 256 : i32
        %mul3A_673 = arith.muli %add3A, %mul3A_672 : i32
        %add3A_674 = arith.addi %mul3A_673, %add3A_671 : i32
        %div3A_675 = arith.constant 2 : i32
        %div3A_676 = arith.divsi %add3A_674, %div3A_675 : i32
        %rem3A_677 = arith.constant 2 : i32
        %rem3A_678 = arith.remsi %add3A_674, %rem3A_677 : i32
        %mul3A_679 = arith.constant 100 : i32
        %mul3A_680 = arith.muli %rem3A_678, %mul3A_679 : i32
        %dma_wait3A_681 = arith.constant 0 : i32
        %dma_wait3A_682 = arith.constant 0 : i32
        %dma_wait3A_683 = tpu.memref_slice %arg8[%scan3A_4, %dma_wait3A_681, %dma_wait3A_682] : memref<8x100x64xf32, #tpu.memory_space<vmem>> -> memref<1x100x64xf32, #tpu.memory_space<vmem>>
        %dma_wait3A_684 = tpu.memref_squeeze %dma_wait3A_683 : memref<1x100x64xf32, #tpu.memory_space<vmem>> -> memref<100x64xf32, #tpu.memory_space<vmem>>
        %dma_wait3A_685 = arith.constant 0 : i32
        %dma_wait3A_686 = tpu.memref_slice %arg5[%div3A_676, %mul3A_680, %dma_wait3A_685] : memref<4096x200x64xf32, #tpu.memory_space<hbm>> -> memref<1x100x64xf32, #tpu.memory_space<hbm>>
        %dma_wait3A_687 = tpu.memref_squeeze %dma_wait3A_686 : memref<1x100x64xf32, #tpu.memory_space<hbm>> -> memref<100x64xf32, #tpu.memory_space<hbm>>
        %dma_wait3A_688 = arith.constant 0 : i32
        %dma_wait3A_689 = tpu.memref_slice %arg5[%div3A_676, %mul3A_680, %dma_wait3A_688] : memref<4096x200x64xf32, #tpu.memory_space<hbm>> -> memref<1x100x64xf32, #tpu.memory_space<hbm>>
        %dma_wait3A_690 = tpu.memref_squeeze %dma_wait3A_689 : memref<1x100x64xf32, #tpu.memory_space<hbm>> -> memref<100x64xf32, #tpu.memory_space<hbm>>
        %dma_wait3A_691 = arith.constant 0 : i32
        %dma_wait3A_692 = arith.constant 0 : i32
        %dma_wait3A_693 = tpu.memref_slice %arg8[%scan3A_4, %dma_wait3A_691, %dma_wait3A_692] : memref<8x100x64xf32, #tpu.memory_space<vmem>> -> memref<1x100x64xf32, #tpu.memory_space<vmem>>
        %dma_wait3A_694 = tpu.memref_squeeze %dma_wait3A_693 : memref<1x100x64xf32, #tpu.memory_space<vmem>> -> memref<100x64xf32, #tpu.memory_space<vmem>>
        tpu.wait_dma2 semaphore(%arg19 : memref<!tpu.dma_semaphore, #tpu.memory_space<semaphore_mem>>) src(%dma_wait3A_694 : memref<100x64xf32, #tpu.memory_space<vmem>>) dst(%dma_wait3A_690 : memref<100x64xf32, #tpu.memory_space<hbm>>)
      } else {
      }
      %gt3A_229 = arith.constant 0 : i32
      %gt3A_230 = arith.cmpi sgt, %add3A_216, %gt3A_229 : i32
      %convert_element_type3A_231 = arith.extui %gt3A_230 : i1 to i32
      %cond3A_232 = arith.constant 0 : i32
      %cond3A_233 = arith.cmpi ne, %convert_element_type3A_231, %cond3A_232 : i32
      scf.if %cond3A_233 {
        %sub3A = arith.constant 8 : i32
        %sub3A_669 = arith.subi %add3A_216, %sub3A : i32
        %add3A_670 = arith.constant 3 : i32
        %add3A_671 = arith.addi %sub3A_669, %add3A_670 : i32
        %mul3A_672 = arith.constant 256 : i32
        %mul3A_673 = arith.muli %add3A, %mul3A_672 : i32
        %add3A_674 = arith.addi %mul3A_673, %add3A_671 : i32
        %div3A_675 = arith.constant 2 : i32
        %div3A_676 = arith.divsi %add3A_674, %div3A_675 : i32
        %rem3A_677 = arith.constant 2 : i32
        %rem3A_678 = arith.remsi %add3A_674, %rem3A_677 : i32
        %mul3A_679 = arith.constant 100 : i32
        %mul3A_680 = arith.muli %rem3A_678, %mul3A_679 : i32
        %dma_wait3A_681 = arith.constant 0 : i32
        %dma_wait3A_682 = arith.constant 0 : i32
        %dma_wait3A_683 = tpu.memref_slice %arg8[%scan3A_5, %dma_wait3A_681, %dma_wait3A_682] : memref<8x100x64xf32, #tpu.memory_space<vmem>> -> memref<1x100x64xf32, #tpu.memory_space<vmem>>
        %dma_wait3A_684 = tpu.memref_squeeze %dma_wait3A_683 : memref<1x100x64xf32, #tpu.memory_space<vmem>> -> memref<100x64xf32, #tpu.memory_space<vmem>>
        %dma_wait3A_685 = arith.constant 0 : i32
        %dma_wait3A_686 = tpu.memref_slice %arg5[%div3A_676, %mul3A_680, %dma_wait3A_685] : memref<4096x200x64xf32, #tpu.memory_space<hbm>> -> memref<1x100x64xf32, #tpu.memory_space<hbm>>
        %dma_wait3A_687 = tpu.memref_squeeze %dma_wait3A_686 : memref<1x100x64xf32, #tpu.memory_space<hbm>> -> memref<100x64xf32, #tpu.memory_space<hbm>>
        %dma_wait3A_688 = arith.constant 0 : i32
        %dma_wait3A_689 = tpu.memref_slice %arg5[%div3A_676, %mul3A_680, %dma_wait3A_688] : memref<4096x200x64xf32, #tpu.memory_space<hbm>> -> memref<1x100x64xf32, #tpu.memory_space<hbm>>
        %dma_wait3A_690 = tpu.memref_squeeze %dma_wait3A_689 : memref<1x100x64xf32, #tpu.memory_space<hbm>> -> memref<100x64xf32, #tpu.memory_space<hbm>>
        %dma_wait3A_691 = arith.constant 0 : i32
        %dma_wait3A_692 = arith.constant 0 : i32
        %dma_wait3A_693 = tpu.memref_slice %arg8[%scan3A_5, %dma_wait3A_691, %dma_wait3A_692] : memref<8x100x64xf32, #tpu.memory_space<vmem>> -> memref<1x100x64xf32, #tpu.memory_space<vmem>>
        %dma_wait3A_694 = tpu.memref_squeeze %dma_wait3A_693 : memref<1x100x64xf32, #tpu.memory_space<vmem>> -> memref<100x64xf32, #tpu.memory_space<vmem>>
        tpu.wait_dma2 semaphore(%arg20 : memref<!tpu.dma_semaphore, #tpu.memory_space<semaphore_mem>>) src(%dma_wait3A_694 : memref<100x64xf32, #tpu.memory_space<vmem>>) dst(%dma_wait3A_690 : memref<100x64xf32, #tpu.memory_space<hbm>>)
      } else {
      }
      %gt3A_234 = arith.constant 0 : i32
      %gt3A_235 = arith.cmpi sgt, %add3A_216, %gt3A_234 : i32
      %convert_element_type3A_236 = arith.extui %gt3A_235 : i1 to i32
      %cond3A_237 = arith.constant 0 : i32
      %cond3A_238 = arith.cmpi ne, %convert_element_type3A_236, %cond3A_237 : i32
      scf.if %cond3A_238 {
        %sub3A = arith.constant 8 : i32
        %sub3A_669 = arith.subi %add3A_216, %sub3A : i32
        %add3A_670 = arith.constant 4 : i32
        %add3A_671 = arith.addi %sub3A_669, %add3A_670 : i32
        %mul3A_672 = arith.constant 256 : i32
        %mul3A_673 = arith.muli %add3A, %mul3A_672 : i32
        %add3A_674 = arith.addi %mul3A_673, %add3A_671 : i32
        %div3A_675 = arith.constant 2 : i32
        %div3A_676 = arith.divsi %add3A_674, %div3A_675 : i32
        %rem3A_677 = arith.constant 2 : i32
        %rem3A_678 = arith.remsi %add3A_674, %rem3A_677 : i32
        %mul3A_679 = arith.constant 100 : i32
        %mul3A_680 = arith.muli %rem3A_678, %mul3A_679 : i32
        %dma_wait3A_681 = arith.constant 0 : i32
        %dma_wait3A_682 = arith.constant 0 : i32
        %dma_wait3A_683 = tpu.memref_slice %arg8[%scan3A_6, %dma_wait3A_681, %dma_wait3A_682] : memref<8x100x64xf32, #tpu.memory_space<vmem>> -> memref<1x100x64xf32, #tpu.memory_space<vmem>>
        %dma_wait3A_684 = tpu.memref_squeeze %dma_wait3A_683 : memref<1x100x64xf32, #tpu.memory_space<vmem>> -> memref<100x64xf32, #tpu.memory_space<vmem>>
        %dma_wait3A_685 = arith.constant 0 : i32
        %dma_wait3A_686 = tpu.memref_slice %arg5[%div3A_676, %mul3A_680, %dma_wait3A_685] : memref<4096x200x64xf32, #tpu.memory_space<hbm>> -> memref<1x100x64xf32, #tpu.memory_space<hbm>>
        %dma_wait3A_687 = tpu.memref_squeeze %dma_wait3A_686 : memref<1x100x64xf32, #tpu.memory_space<hbm>> -> memref<100x64xf32, #tpu.memory_space<hbm>>
        %dma_wait3A_688 = arith.constant 0 : i32
        %dma_wait3A_689 = tpu.memref_slice %arg5[%div3A_676, %mul3A_680, %dma_wait3A_688] : memref<4096x200x64xf32, #tpu.memory_space<hbm>> -> memref<1x100x64xf32, #tpu.memory_space<hbm>>
        %dma_wait3A_690 = tpu.memref_squeeze %dma_wait3A_689 : memref<1x100x64xf32, #tpu.memory_space<hbm>> -> memref<100x64xf32, #tpu.memory_space<hbm>>
        %dma_wait3A_691 = arith.constant 0 : i32
        %dma_wait3A_692 = arith.constant 0 : i32
        %dma_wait3A_693 = tpu.memref_slice %arg8[%scan3A_6, %dma_wait3A_691, %dma_wait3A_692] : memref<8x100x64xf32, #tpu.memory_space<vmem>> -> memref<1x100x64xf32, #tpu.memory_space<vmem>>
        %dma_wait3A_694 = tpu.memref_squeeze %dma_wait3A_693 : memref<1x100x64xf32, #tpu.memory_space<vmem>> -> memref<100x64xf32, #tpu.memory_space<vmem>>
        tpu.wait_dma2 semaphore(%arg21 : memref<!tpu.dma_semaphore, #tpu.memory_space<semaphore_mem>>) src(%dma_wait3A_694 : memref<100x64xf32, #tpu.memory_space<vmem>>) dst(%dma_wait3A_690 : memref<100x64xf32, #tpu.memory_space<hbm>>)
      } else {
      }
      %gt3A_239 = arith.constant 0 : i32
      %gt3A_240 = arith.cmpi sgt, %add3A_216, %gt3A_239 : i32
      %convert_element_type3A_241 = arith.extui %gt3A_240 : i1 to i32
      %cond3A_242 = arith.constant 0 : i32
      %cond3A_243 = arith.cmpi ne, %convert_element_type3A_241, %cond3A_242 : i32
      scf.if %cond3A_243 {
        %sub3A = arith.constant 8 : i32
        %sub3A_669 = arith.subi %add3A_216, %sub3A : i32
        %add3A_670 = arith.constant 5 : i32
        %add3A_671 = arith.addi %sub3A_669, %add3A_670 : i32
        %mul3A_672 = arith.constant 256 : i32
        %mul3A_673 = arith.muli %add3A, %mul3A_672 : i32
        %add3A_674 = arith.addi %mul3A_673, %add3A_671 : i32
        %div3A_675 = arith.constant 2 : i32
        %div3A_676 = arith.divsi %add3A_674, %div3A_675 : i32
        %rem3A_677 = arith.constant 2 : i32
        %rem3A_678 = arith.remsi %add3A_674, %rem3A_677 : i32
        %mul3A_679 = arith.constant 100 : i32
        %mul3A_680 = arith.muli %rem3A_678, %mul3A_679 : i32
        %dma_wait3A_681 = arith.constant 0 : i32
        %dma_wait3A_682 = arith.constant 0 : i32
        %dma_wait3A_683 = tpu.memref_slice %arg8[%scan3A_7, %dma_wait3A_681, %dma_wait3A_682] : memref<8x100x64xf32, #tpu.memory_space<vmem>> -> memref<1x100x64xf32, #tpu.memory_space<vmem>>
        %dma_wait3A_684 = tpu.memref_squeeze %dma_wait3A_683 : memref<1x100x64xf32, #tpu.memory_space<vmem>> -> memref<100x64xf32, #tpu.memory_space<vmem>>
        %dma_wait3A_685 = arith.constant 0 : i32
        %dma_wait3A_686 = tpu.memref_slice %arg5[%div3A_676, %mul3A_680, %dma_wait3A_685] : memref<4096x200x64xf32, #tpu.memory_space<hbm>> -> memref<1x100x64xf32, #tpu.memory_space<hbm>>
        %dma_wait3A_687 = tpu.memref_squeeze %dma_wait3A_686 : memref<1x100x64xf32, #tpu.memory_space<hbm>> -> memref<100x64xf32, #tpu.memory_space<hbm>>
        %dma_wait3A_688 = arith.constant 0 : i32
        %dma_wait3A_689 = tpu.memref_slice %arg5[%div3A_676, %mul3A_680, %dma_wait3A_688] : memref<4096x200x64xf32, #tpu.memory_space<hbm>> -> memref<1x100x64xf32, #tpu.memory_space<hbm>>
        %dma_wait3A_690 = tpu.memref_squeeze %dma_wait3A_689 : memref<1x100x64xf32, #tpu.memory_space<hbm>> -> memref<100x64xf32, #tpu.memory_space<hbm>>
        %dma_wait3A_691 = arith.constant 0 : i32
        %dma_wait3A_692 = arith.constant 0 : i32
        %dma_wait3A_693 = tpu.memref_slice %arg8[%scan3A_7, %dma_wait3A_691, %dma_wait3A_692] : memref<8x100x64xf32, #tpu.memory_space<vmem>> -> memref<1x100x64xf32, #tpu.memory_space<vmem>>
        %dma_wait3A_694 = tpu.memref_squeeze %dma_wait3A_693 : memref<1x100x64xf32, #tpu.memory_space<vmem>> -> memref<100x64xf32, #tpu.memory_space<vmem>>
        tpu.wait_dma2 semaphore(%arg22 : memref<!tpu.dma_semaphore, #tpu.memory_space<semaphore_mem>>) src(%dma_wait3A_694 : memref<100x64xf32, #tpu.memory_space<vmem>>) dst(%dma_wait3A_690 : memref<100x64xf32, #tpu.memory_space<hbm>>)
      } else {
      }
      %gt3A_244 = arith.constant 0 : i32
      %gt3A_245 = arith.cmpi sgt, %add3A_216, %gt3A_244 : i32
      %convert_element_type3A_246 = arith.extui %gt3A_245 : i1 to i32
      %cond3A_247 = arith.constant 0 : i32
      %cond3A_248 = arith.cmpi ne, %convert_element_type3A_246, %cond3A_247 : i32
      scf.if %cond3A_248 {
        %sub3A = arith.constant 8 : i32
        %sub3A_669 = arith.subi %add3A_216, %sub3A : i32
        %add3A_670 = arith.constant 6 : i32
        %add3A_671 = arith.addi %sub3A_669, %add3A_670 : i32
        %mul3A_672 = arith.constant 256 : i32
        %mul3A_673 = arith.muli %add3A, %mul3A_672 : i32
        %add3A_674 = arith.addi %mul3A_673, %add3A_671 : i32
        %div3A_675 = arith.constant 2 : i32
        %div3A_676 = arith.divsi %add3A_674, %div3A_675 : i32
        %rem3A_677 = arith.constant 2 : i32
        %rem3A_678 = arith.remsi %add3A_674, %rem3A_677 : i32
        %mul3A_679 = arith.constant 100 : i32
        %mul3A_680 = arith.muli %rem3A_678, %mul3A_679 : i32
        %dma_wait3A_681 = arith.constant 0 : i32
        %dma_wait3A_682 = arith.constant 0 : i32
        %dma_wait3A_683 = tpu.memref_slice %arg8[%scan3A_8, %dma_wait3A_681, %dma_wait3A_682] : memref<8x100x64xf32, #tpu.memory_space<vmem>> -> memref<1x100x64xf32, #tpu.memory_space<vmem>>
        %dma_wait3A_684 = tpu.memref_squeeze %dma_wait3A_683 : memref<1x100x64xf32, #tpu.memory_space<vmem>> -> memref<100x64xf32, #tpu.memory_space<vmem>>
        %dma_wait3A_685 = arith.constant 0 : i32
        %dma_wait3A_686 = tpu.memref_slice %arg5[%div3A_676, %mul3A_680, %dma_wait3A_685] : memref<4096x200x64xf32, #tpu.memory_space<hbm>> -> memref<1x100x64xf32, #tpu.memory_space<hbm>>
        %dma_wait3A_687 = tpu.memref_squeeze %dma_wait3A_686 : memref<1x100x64xf32, #tpu.memory_space<hbm>> -> memref<100x64xf32, #tpu.memory_space<hbm>>
        %dma_wait3A_688 = arith.constant 0 : i32
        %dma_wait3A_689 = tpu.memref_slice %arg5[%div3A_676, %mul3A_680, %dma_wait3A_688] : memref<4096x200x64xf32, #tpu.memory_space<hbm>> -> memref<1x100x64xf32, #tpu.memory_space<hbm>>
        %dma_wait3A_690 = tpu.memref_squeeze %dma_wait3A_689 : memref<1x100x64xf32, #tpu.memory_space<hbm>> -> memref<100x64xf32, #tpu.memory_space<hbm>>
        %dma_wait3A_691 = arith.constant 0 : i32
        %dma_wait3A_692 = arith.constant 0 : i32
        %dma_wait3A_693 = tpu.memref_slice %arg8[%scan3A_8, %dma_wait3A_691, %dma_wait3A_692] : memref<8x100x64xf32, #tpu.memory_space<vmem>> -> memref<1x100x64xf32, #tpu.memory_space<vmem>>
        %dma_wait3A_694 = tpu.memref_squeeze %dma_wait3A_693 : memref<1x100x64xf32, #tpu.memory_space<vmem>> -> memref<100x64xf32, #tpu.memory_space<vmem>>
        tpu.wait_dma2 semaphore(%arg23 : memref<!tpu.dma_semaphore, #tpu.memory_space<semaphore_mem>>) src(%dma_wait3A_694 : memref<100x64xf32, #tpu.memory_space<vmem>>) dst(%dma_wait3A_690 : memref<100x64xf32, #tpu.memory_space<hbm>>)
      } else {
      }
      %gt3A_249 = arith.constant 0 : i32
      %gt3A_250 = arith.cmpi sgt, %add3A_216, %gt3A_249 : i32
      %convert_element_type3A_251 = arith.extui %gt3A_250 : i1 to i32
      %cond3A_252 = arith.constant 0 : i32
      %cond3A_253 = arith.cmpi ne, %convert_element_type3A_251, %cond3A_252 : i32
      scf.if %cond3A_253 {
        %sub3A = arith.constant 8 : i32
        %sub3A_669 = arith.subi %add3A_216, %sub3A : i32
        %add3A_670 = arith.constant 7 : i32
        %add3A_671 = arith.addi %sub3A_669, %add3A_670 : i32
        %mul3A_672 = arith.constant 256 : i32
        %mul3A_673 = arith.muli %add3A, %mul3A_672 : i32
        %add3A_674 = arith.addi %mul3A_673, %add3A_671 : i32
        %div3A_675 = arith.constant 2 : i32
        %div3A_676 = arith.divsi %add3A_674, %div3A_675 : i32
        %rem3A_677 = arith.constant 2 : i32
        %rem3A_678 = arith.remsi %add3A_674, %rem3A_677 : i32
        %mul3A_679 = arith.constant 100 : i32
        %mul3A_680 = arith.muli %rem3A_678, %mul3A_679 : i32
        %dma_wait3A_681 = arith.constant 0 : i32
        %dma_wait3A_682 = arith.constant 0 : i32
        %dma_wait3A_683 = tpu.memref_slice %arg8[%scan3A_9, %dma_wait3A_681, %dma_wait3A_682] : memref<8x100x64xf32, #tpu.memory_space<vmem>> -> memref<1x100x64xf32, #tpu.memory_space<vmem>>
        %dma_wait3A_684 = tpu.memref_squeeze %dma_wait3A_683 : memref<1x100x64xf32, #tpu.memory_space<vmem>> -> memref<100x64xf32, #tpu.memory_space<vmem>>
        %dma_wait3A_685 = arith.constant 0 : i32
        %dma_wait3A_686 = tpu.memref_slice %arg5[%div3A_676, %mul3A_680, %dma_wait3A_685] : memref<4096x200x64xf32, #tpu.memory_space<hbm>> -> memref<1x100x64xf32, #tpu.memory_space<hbm>>
        %dma_wait3A_687 = tpu.memref_squeeze %dma_wait3A_686 : memref<1x100x64xf32, #tpu.memory_space<hbm>> -> memref<100x64xf32, #tpu.memory_space<hbm>>
        %dma_wait3A_688 = arith.constant 0 : i32
        %dma_wait3A_689 = tpu.memref_slice %arg5[%div3A_676, %mul3A_680, %dma_wait3A_688] : memref<4096x200x64xf32, #tpu.memory_space<hbm>> -> memref<1x100x64xf32, #tpu.memory_space<hbm>>
        %dma_wait3A_690 = tpu.memref_squeeze %dma_wait3A_689 : memref<1x100x64xf32, #tpu.memory_space<hbm>> -> memref<100x64xf32, #tpu.memory_space<hbm>>
        %dma_wait3A_691 = arith.constant 0 : i32
        %dma_wait3A_692 = arith.constant 0 : i32
        %dma_wait3A_693 = tpu.memref_slice %arg8[%scan3A_9, %dma_wait3A_691, %dma_wait3A_692] : memref<8x100x64xf32, #tpu.memory_space<vmem>> -> memref<1x100x64xf32, #tpu.memory_space<vmem>>
        %dma_wait3A_694 = tpu.memref_squeeze %dma_wait3A_693 : memref<1x100x64xf32, #tpu.memory_space<vmem>> -> memref<100x64xf32, #tpu.memory_space<vmem>>
        tpu.wait_dma2 semaphore(%arg24 : memref<!tpu.dma_semaphore, #tpu.memory_space<semaphore_mem>>) src(%dma_wait3A_694 : memref<100x64xf32, #tpu.memory_space<vmem>>) dst(%dma_wait3A_690 : memref<100x64xf32, #tpu.memory_space<hbm>>)
      } else {
      }
      %add3A_254 = arith.constant 0 : i32
      %add3A_255 = arith.addi %add3A_216, %add3A_254 : i32
      %dma_start3A = arith.constant 0 : i32
      %dma_start3A_256 = arith.constant 0 : i32
      %dma_start3A_257 = tpu.memref_slice %arg8[%scan3A, %dma_start3A, %dma_start3A_256] : memref<8x100x64xf32, #tpu.memory_space<vmem>> -> memref<1x100x64xf32, #tpu.memory_space<vmem>>
      %dma_start3A_258 = tpu.memref_squeeze %dma_start3A_257 : memref<1x100x64xf32, #tpu.memory_space<vmem>> -> memref<100x64xf32, #tpu.memory_space<vmem>>
      %dma_start3A_259 = arith.constant 0 : i32
      %dma_start3A_260 = tpu.memref_slice %arg6[%add3A_255, %dma_start3A_259] : memref<256x100xi32, #tpu.memory_space<vmem>> -> memref<1x100xi32, #tpu.memory_space<vmem>>
      %dma_start3A_261 = tpu.memref_squeeze %dma_start3A_260 : memref<1x100xi32, #tpu.memory_space<vmem>> -> memref<100xi32, #tpu.memory_space<vmem>>
      %dma_start3A_262 = arith.constant 0 : i32
      %dma_start3A_263 = arith.constant 0 : i32
      %dma_start3A_264 = tpu.memref_slice %arg3[%dma_start3A_262, %dma_start3A_263] : memref<1000000x64xf32, #tpu.memory_space<hbm>> -> memref<1000000x64xf32, #tpu.memory_space<hbm>>
      tpu.enqueue_indirect_dma source(%dma_start3A_264 : memref<1000000x64xf32, #tpu.memory_space<hbm>>) target(%dma_start3A_258 : memref<100x64xf32, #tpu.memory_space<vmem>>) offsets(%dma_start3A_261 : memref<100xi32, #tpu.memory_space<vmem>>) semaphore(%arg9 : memref<!tpu.dma_semaphore, #tpu.memory_space<semaphore_mem>>)
      %add3A_265 = arith.constant 1 : i32
      %add3A_266 = arith.addi %add3A_216, %add3A_265 : i32
      %dma_start3A_267 = arith.constant 0 : i32
      %dma_start3A_268 = arith.constant 0 : i32
      %dma_start3A_269 = tpu.memref_slice %arg8[%scan3A_3, %dma_start3A_267, %dma_start3A_268] : memref<8x100x64xf32, #tpu.memory_space<vmem>> -> memref<1x100x64xf32, #tpu.memory_space<vmem>>
      %dma_start3A_270 = tpu.memref_squeeze %dma_start3A_269 : memref<1x100x64xf32, #tpu.memory_space<vmem>> -> memref<100x64xf32, #tpu.memory_space<vmem>>
      %dma_start3A_271 = arith.constant 0 : i32
      %dma_start3A_272 = tpu.memref_slice %arg6[%add3A_266, %dma_start3A_271] : memref<256x100xi32, #tpu.memory_space<vmem>> -> memref<1x100xi32, #tpu.memory_space<vmem>>
      %dma_start3A_273 = tpu.memref_squeeze %dma_start3A_272 : memref<1x100xi32, #tpu.memory_space<vmem>> -> memref<100xi32, #tpu.memory_space<vmem>>
      %dma_start3A_274 = arith.constant 0 : i32
      %dma_start3A_275 = arith.constant 0 : i32
      %dma_start3A_276 = tpu.memref_slice %arg3[%dma_start3A_274, %dma_start3A_275] : memref<1000000x64xf32, #tpu.memory_space<hbm>> -> memref<1000000x64xf32, #tpu.memory_space<hbm>>
      tpu.enqueue_indirect_dma source(%dma_start3A_276 : memref<1000000x64xf32, #tpu.memory_space<hbm>>) target(%dma_start3A_270 : memref<100x64xf32, #tpu.memory_space<vmem>>) offsets(%dma_start3A_273 : memref<100xi32, #tpu.memory_space<vmem>>) semaphore(%arg10 : memref<!tpu.dma_semaphore, #tpu.memory_space<semaphore_mem>>)
      %add3A_277 = arith.constant 2 : i32
      %add3A_278 = arith.addi %add3A_216, %add3A_277 : i32
      %dma_start3A_279 = arith.constant 0 : i32
      %dma_start3A_280 = arith.constant 0 : i32
      %dma_start3A_281 = tpu.memref_slice %arg8[%scan3A_4, %dma_start3A_279, %dma_start3A_280] : memref<8x100x64xf32, #tpu.memory_space<vmem>> -> memref<1x100x64xf32, #tpu.memory_space<vmem>>
      %dma_start3A_282 = tpu.memref_squeeze %dma_start3A_281 : memref<1x100x64xf32, #tpu.memory_space<vmem>> -> memref<100x64xf32, #tpu.memory_space<vmem>>
      %dma_start3A_283 = arith.constant 0 : i32
      %dma_start3A_284 = tpu.memref_slice %arg6[%add3A_278, %dma_start3A_283] : memref<256x100xi32, #tpu.memory_space<vmem>> -> memref<1x100xi32, #tpu.memory_space<vmem>>
      %dma_start3A_285 = tpu.memref_squeeze %dma_start3A_284 : memref<1x100xi32, #tpu.memory_space<vmem>> -> memref<100xi32, #tpu.memory_space<vmem>>
      %dma_start3A_286 = arith.constant 0 : i32
      %dma_start3A_287 = arith.constant 0 : i32
      %dma_start3A_288 = tpu.memref_slice %arg3[%dma_start3A_286, %dma_start3A_287] : memref<1000000x64xf32, #tpu.memory_space<hbm>> -> memref<1000000x64xf32, #tpu.memory_space<hbm>>
      tpu.enqueue_indirect_dma source(%dma_start3A_288 : memref<1000000x64xf32, #tpu.memory_space<hbm>>) target(%dma_start3A_282 : memref<100x64xf32, #tpu.memory_space<vmem>>) offsets(%dma_start3A_285 : memref<100xi32, #tpu.memory_space<vmem>>) semaphore(%arg11 : memref<!tpu.dma_semaphore, #tpu.memory_space<semaphore_mem>>)
      %add3A_289 = arith.constant 3 : i32
      %add3A_290 = arith.addi %add3A_216, %add3A_289 : i32
      %dma_start3A_291 = arith.constant 0 : i32
      %dma_start3A_292 = arith.constant 0 : i32
      %dma_start3A_293 = tpu.memref_slice %arg8[%scan3A_5, %dma_start3A_291, %dma_start3A_292] : memref<8x100x64xf32, #tpu.memory_space<vmem>> -> memref<1x100x64xf32, #tpu.memory_space<vmem>>
      %dma_start3A_294 = tpu.memref_squeeze %dma_start3A_293 : memref<1x100x64xf32, #tpu.memory_space<vmem>> -> memref<100x64xf32, #tpu.memory_space<vmem>>
      %dma_start3A_295 = arith.constant 0 : i32
      %dma_start3A_296 = tpu.memref_slice %arg6[%add3A_290, %dma_start3A_295] : memref<256x100xi32, #tpu.memory_space<vmem>> -> memref<1x100xi32, #tpu.memory_space<vmem>>
      %dma_start3A_297 = tpu.memref_squeeze %dma_start3A_296 : memref<1x100xi32, #tpu.memory_space<vmem>> -> memref<100xi32, #tpu.memory_space<vmem>>
      %dma_start3A_298 = arith.constant 0 : i32
      %dma_start3A_299 = arith.constant 0 : i32
      %dma_start3A_300 = tpu.memref_slice %arg3[%dma_start3A_298, %dma_start3A_299] : memref<1000000x64xf32, #tpu.memory_space<hbm>> -> memref<1000000x64xf32, #tpu.memory_space<hbm>>
      tpu.enqueue_indirect_dma source(%dma_start3A_300 : memref<1000000x64xf32, #tpu.memory_space<hbm>>) target(%dma_start3A_294 : memref<100x64xf32, #tpu.memory_space<vmem>>) offsets(%dma_start3A_297 : memref<100xi32, #tpu.memory_space<vmem>>) semaphore(%arg12 : memref<!tpu.dma_semaphore, #tpu.memory_space<semaphore_mem>>)
      %add3A_301 = arith.constant 4 : i32
      %add3A_302 = arith.addi %add3A_216, %add3A_301 : i32
      %dma_start3A_303 = arith.constant 0 : i32
      %dma_start3A_304 = arith.constant 0 : i32
      %dma_start3A_305 = tpu.memref_slice %arg8[%scan3A_6, %dma_start3A_303, %dma_start3A_304] : memref<8x100x64xf32, #tpu.memory_space<vmem>> -> memref<1x100x64xf32, #tpu.memory_space<vmem>>
      %dma_start3A_306 = tpu.memref_squeeze %dma_start3A_305 : memref<1x100x64xf32, #tpu.memory_space<vmem>> -> memref<100x64xf32, #tpu.memory_space<vmem>>
      %dma_start3A_307 = arith.constant 0 : i32
      %dma_start3A_308 = tpu.memref_slice %arg6[%add3A_302, %dma_start3A_307] : memref<256x100xi32, #tpu.memory_space<vmem>> -> memref<1x100xi32, #tpu.memory_space<vmem>>
      %dma_start3A_309 = tpu.memref_squeeze %dma_start3A_308 : memref<1x100xi32, #tpu.memory_space<vmem>> -> memref<100xi32, #tpu.memory_space<vmem>>
      %dma_start3A_310 = arith.constant 0 : i32
      %dma_start3A_311 = arith.constant 0 : i32
      %dma_start3A_312 = tpu.memref_slice %arg3[%dma_start3A_310, %dma_start3A_311] : memref<1000000x64xf32, #tpu.memory_space<hbm>> -> memref<1000000x64xf32, #tpu.memory_space<hbm>>
      tpu.enqueue_indirect_dma source(%dma_start3A_312 : memref<1000000x64xf32, #tpu.memory_space<hbm>>) target(%dma_start3A_306 : memref<100x64xf32, #tpu.memory_space<vmem>>) offsets(%dma_start3A_309 : memref<100xi32, #tpu.memory_space<vmem>>) semaphore(%arg13 : memref<!tpu.dma_semaphore, #tpu.memory_space<semaphore_mem>>)
      %add3A_313 = arith.constant 5 : i32
      %add3A_314 = arith.addi %add3A_216, %add3A_313 : i32
      %dma_start3A_315 = arith.constant 0 : i32
      %dma_start3A_316 = arith.constant 0 : i32
      %dma_start3A_317 = tpu.memref_slice %arg8[%scan3A_7, %dma_start3A_315, %dma_start3A_316] : memref<8x100x64xf32, #tpu.memory_space<vmem>> -> memref<1x100x64xf32, #tpu.memory_space<vmem>>
      %dma_start3A_318 = tpu.memref_squeeze %dma_start3A_317 : memref<1x100x64xf32, #tpu.memory_space<vmem>> -> memref<100x64xf32, #tpu.memory_space<vmem>>
      %dma_start3A_319 = arith.constant 0 : i32
      %dma_start3A_320 = tpu.memref_slice %arg6[%add3A_314, %dma_start3A_319] : memref<256x100xi32, #tpu.memory_space<vmem>> -> memref<1x100xi32, #tpu.memory_space<vmem>>
      %dma_start3A_321 = tpu.memref_squeeze %dma_start3A_320 : memref<1x100xi32, #tpu.memory_space<vmem>> -> memref<100xi32, #tpu.memory_space<vmem>>
      %dma_start3A_322 = arith.constant 0 : i32
      %dma_start3A_323 = arith.constant 0 : i32
      %dma_start3A_324 = tpu.memref_slice %arg3[%dma_start3A_322, %dma_start3A_323] : memref<1000000x64xf32, #tpu.memory_space<hbm>> -> memref<1000000x64xf32, #tpu.memory_space<hbm>>
      tpu.enqueue_indirect_dma source(%dma_start3A_324 : memref<1000000x64xf32, #tpu.memory_space<hbm>>) target(%dma_start3A_318 : memref<100x64xf32, #tpu.memory_space<vmem>>) offsets(%dma_start3A_321 : memref<100xi32, #tpu.memory_space<vmem>>) semaphore(%arg14 : memref<!tpu.dma_semaphore, #tpu.memory_space<semaphore_mem>>)
      %add3A_325 = arith.constant 6 : i32
      %add3A_326 = arith.addi %add3A_216, %add3A_325 : i32
      %dma_start3A_327 = arith.constant 0 : i32
      %dma_start3A_328 = arith.constant 0 : i32
      %dma_start3A_329 = tpu.memref_slice %arg8[%scan3A_8, %dma_start3A_327, %dma_start3A_328] : memref<8x100x64xf32, #tpu.memory_space<vmem>> -> memref<1x100x64xf32, #tpu.memory_space<vmem>>
      %dma_start3A_330 = tpu.memref_squeeze %dma_start3A_329 : memref<1x100x64xf32, #tpu.memory_space<vmem>> -> memref<100x64xf32, #tpu.memory_space<vmem>>
      %dma_start3A_331 = arith.constant 0 : i32
      %dma_start3A_332 = tpu.memref_slice %arg6[%add3A_326, %dma_start3A_331] : memref<256x100xi32, #tpu.memory_space<vmem>> -> memref<1x100xi32, #tpu.memory_space<vmem>>
      %dma_start3A_333 = tpu.memref_squeeze %dma_start3A_332 : memref<1x100xi32, #tpu.memory_space<vmem>> -> memref<100xi32, #tpu.memory_space<vmem>>
      %dma_start3A_334 = arith.constant 0 : i32
      %dma_start3A_335 = arith.constant 0 : i32
      %dma_start3A_336 = tpu.memref_slice %arg3[%dma_start3A_334, %dma_start3A_335] : memref<1000000x64xf32, #tpu.memory_space<hbm>> -> memref<1000000x64xf32, #tpu.memory_space<hbm>>
      tpu.enqueue_indirect_dma source(%dma_start3A_336 : memref<1000000x64xf32, #tpu.memory_space<hbm>>) target(%dma_start3A_330 : memref<100x64xf32, #tpu.memory_space<vmem>>) offsets(%dma_start3A_333 : memref<100xi32, #tpu.memory_space<vmem>>) semaphore(%arg15 : memref<!tpu.dma_semaphore, #tpu.memory_space<semaphore_mem>>)
      %add3A_337 = arith.constant 7 : i32
      %add3A_338 = arith.addi %add3A_216, %add3A_337 : i32
      %dma_start3A_339 = arith.constant 0 : i32
      %dma_start3A_340 = arith.constant 0 : i32
      %dma_start3A_341 = tpu.memref_slice %arg8[%scan3A_9, %dma_start3A_339, %dma_start3A_340] : memref<8x100x64xf32, #tpu.memory_space<vmem>> -> memref<1x100x64xf32, #tpu.memory_space<vmem>>
      %dma_start3A_342 = tpu.memref_squeeze %dma_start3A_341 : memref<1x100x64xf32, #tpu.memory_space<vmem>> -> memref<100x64xf32, #tpu.memory_space<vmem>>
      %dma_start3A_343 = arith.constant 0 : i32
      %dma_start3A_344 = tpu.memref_slice %arg6[%add3A_338, %dma_start3A_343] : memref<256x100xi32, #tpu.memory_space<vmem>> -> memref<1x100xi32, #tpu.memory_space<vmem>>
      %dma_start3A_345 = tpu.memref_squeeze %dma_start3A_344 : memref<1x100xi32, #tpu.memory_space<vmem>> -> memref<100xi32, #tpu.memory_space<vmem>>
      %dma_start3A_346 = arith.constant 0 : i32
      %dma_start3A_347 = arith.constant 0 : i32
      %dma_start3A_348 = tpu.memref_slice %arg3[%dma_start3A_346, %dma_start3A_347] : memref<1000000x64xf32, #tpu.memory_space<hbm>> -> memref<1000000x64xf32, #tpu.memory_space<hbm>>
      tpu.enqueue_indirect_dma source(%dma_start3A_348 : memref<1000000x64xf32, #tpu.memory_space<hbm>>) target(%dma_start3A_342 : memref<100x64xf32, #tpu.memory_space<vmem>>) offsets(%dma_start3A_345 : memref<100xi32, #tpu.memory_space<vmem>>) semaphore(%arg16 : memref<!tpu.dma_semaphore, #tpu.memory_space<semaphore_mem>>)
      %add3A_349 = arith.constant 0 : i32
      %add3A_350 = arith.addi %add3A_216, %add3A_349 : i32
      %dma_wait3A_351 = arith.constant 0 : i32
      %dma_wait3A_352 = arith.constant 0 : i32
      %dma_wait3A_353 = tpu.memref_slice %arg8[%scan3A, %dma_wait3A_351, %dma_wait3A_352] : memref<8x100x64xf32, #tpu.memory_space<vmem>> -> memref<1x100x64xf32, #tpu.memory_space<vmem>>
      %dma_wait3A_354 = tpu.memref_squeeze %dma_wait3A_353 : memref<1x100x64xf32, #tpu.memory_space<vmem>> -> memref<100x64xf32, #tpu.memory_space<vmem>>
      %dma_wait3A_355 = arith.constant 0 : i32
      %dma_wait3A_356 = tpu.memref_slice %arg6[%add3A_255, %dma_wait3A_355] : memref<256x100xi32, #tpu.memory_space<vmem>> -> memref<1x100xi32, #tpu.memory_space<vmem>>
      %dma_wait3A_357 = tpu.memref_squeeze %dma_wait3A_356 : memref<1x100xi32, #tpu.memory_space<vmem>> -> memref<100xi32, #tpu.memory_space<vmem>>
      %dma_wait3A_358 = arith.constant 0 : i32
      %dma_wait3A_359 = arith.constant 0 : i32
      %dma_wait3A_360 = tpu.memref_slice %arg3[%dma_wait3A_358, %dma_wait3A_359] : memref<1000000x64xf32, #tpu.memory_space<hbm>> -> memref<1000000x64xf32, #tpu.memory_space<hbm>>
      tpu.wait_indirect_dma semaphore(%arg9 : memref<!tpu.dma_semaphore, #tpu.memory_space<semaphore_mem>>) src(%dma_wait3A_360 : memref<1000000x64xf32, #tpu.memory_space<hbm>>) dst(%dma_wait3A_354 : memref<100x64xf32, #tpu.memory_space<vmem>>)
      %scan3A_361 = arith.constant 0 : i32
      %scan3A_362 = arith.constant 100 : i32
      %scan3A_363 = arith.addi %scan3A_361, %scan3A_362 : i32
      %scan3A_364 = arith.constant 1 : i32
      scf.for %scan3A_669 = %scan3A_361 to %scan3A_363 step %scan3A_364  : i32 {
        %mul3A_670 = arith.constant 1 : i32
        %mul3A_671 = arith.muli %scan3A_669, %mul3A_670 : i32
        %add3A_672 = arith.constant 0 : i32
        %add3A_673 = arith.addi %add3A_672, %mul3A_671 : i32
        %add3A_674 = arith.constant 0 : i32
        %add3A_675 = arith.addi %add3A_674, %add3A_673 : i32
        %get3A = arith.index_cast %add3A_675 : i32 to index
        %get3A_676 = arith.constant 0 : index
        %get3A_677 = tpu.vector_load %arg7[%get3A, %get3A_676] {strides = array<i32>} : memref<200x64xf32, #tpu.memory_space<vmem>>, vector<1x16xf32>,
        %get3A_678 = vector.shape_cast %get3A_677 : vector<1x16xf32> to vector<16xf32>
        %swap3A = arith.constant 0 : i32
        %swap3A_679 = arith.constant 0 : i32
        %swap3A_680 = tpu.memref_slice %arg8[%scan3A, %swap3A, %swap3A_679] : memref<8x100x64xf32, #tpu.memory_space<vmem>> -> memref<1x100x64xf32, #tpu.memory_space<vmem>>
        %swap3A_681 = tpu.memref_squeeze %swap3A_680 : memref<1x100x64xf32, #tpu.memory_space<vmem>> -> memref<100x64xf32, #tpu.memory_space<vmem>>
        %swap3A_682 = arith.index_cast %add3A_673 : i32 to index
        %swap3A_683 = arith.constant 0 : index
        %swap3A_684 = tpu.vector_load %swap3A_681[%swap3A_682, %swap3A_683] {strides = array<i32>} : memref<100x64xf32, #tpu.memory_space<vmem>>, vector<1x16xf32>,
        %swap3A_685 = vector.shape_cast %swap3A_684 : vector<1x16xf32> to vector<16xf32>
        %swap3A_686 = vector.shape_cast %get3A_678 : vector<16xf32> to vector<1x16xf32>
        tpu.vector_store %swap3A_681[%swap3A_682, %swap3A_683], %swap3A_686 {add = true, strides = array<i32>} : memref<100x64xf32, #tpu.memory_space<vmem>>, vector<1x16xf32>,
        %add3A_687 = arith.constant 0 : i32
        %add3A_688 = arith.addi %add3A_687, %add3A_673 : i32
        %get3A_689 = arith.index_cast %add3A_688 : i32 to index
        %get3A_690 = arith.constant 16 : index
        %get3A_691 = tpu.vector_load %arg7[%get3A_689, %get3A_690] {strides = array<i32>} : memref<200x64xf32, #tpu.memory_space<vmem>>, vector<1x16xf32>,
        %get3A_692 = vector.shape_cast %get3A_691 : vector<1x16xf32> to vector<16xf32>
        %swap3A_693 = arith.constant 0 : i32
        %swap3A_694 = arith.constant 0 : i32
        %swap3A_695 = tpu.memref_slice %arg8[%scan3A, %swap3A_693, %swap3A_694] : memref<8x100x64xf32, #tpu.memory_space<vmem>> -> memref<1x100x64xf32, #tpu.memory_space<vmem>>
        %swap3A_696 = tpu.memref_squeeze %swap3A_695 : memref<1x100x64xf32, #tpu.memory_space<vmem>> -> memref<100x64xf32, #tpu.memory_space<vmem>>
        %swap3A_697 = arith.index_cast %add3A_673 : i32 to index
        %swap3A_698 = arith.constant 16 : index
        %swap3A_699 = tpu.vector_load %swap3A_696[%swap3A_697, %swap3A_698] {strides = array<i32>} : memref<100x64xf32, #tpu.memory_space<vmem>>, vector<1x16xf32>,
        %swap3A_700 = vector.shape_cast %swap3A_699 : vector<1x16xf32> to vector<16xf32>
        %swap3A_701 = vector.shape_cast %get3A_692 : vector<16xf32> to vector<1x16xf32>
        tpu.vector_store %swap3A_696[%swap3A_697, %swap3A_698], %swap3A_701 {add = true, strides = array<i32>} : memref<100x64xf32, #tpu.memory_space<vmem>>, vector<1x16xf32>,
        %add3A_702 = arith.constant 0 : i32
        %add3A_703 = arith.addi %add3A_702, %add3A_673 : i32
        %get3A_704 = arith.index_cast %add3A_703 : i32 to index
        %get3A_705 = arith.constant 32 : index
        %get3A_706 = tpu.vector_load %arg7[%get3A_704, %get3A_705] {strides = array<i32>} : memref<200x64xf32, #tpu.memory_space<vmem>>, vector<1x16xf32>,
        %get3A_707 = vector.shape_cast %get3A_706 : vector<1x16xf32> to vector<16xf32>
        %swap3A_708 = arith.constant 0 : i32
        %swap3A_709 = arith.constant 0 : i32
        %swap3A_710 = tpu.memref_slice %arg8[%scan3A, %swap3A_708, %swap3A_709] : memref<8x100x64xf32, #tpu.memory_space<vmem>> -> memref<1x100x64xf32, #tpu.memory_space<vmem>>
        %swap3A_711 = tpu.memref_squeeze %swap3A_710 : memref<1x100x64xf32, #tpu.memory_space<vmem>> -> memref<100x64xf32, #tpu.memory_space<vmem>>
        %swap3A_712 = arith.index_cast %add3A_673 : i32 to index
        %swap3A_713 = arith.constant 32 : index
        %swap3A_714 = tpu.vector_load %swap3A_711[%swap3A_712, %swap3A_713] {strides = array<i32>} : memref<100x64xf32, #tpu.memory_space<vmem>>, vector<1x16xf32>,
        %swap3A_715 = vector.shape_cast %swap3A_714 : vector<1x16xf32> to vector<16xf32>
        %swap3A_716 = vector.shape_cast %get3A_707 : vector<16xf32> to vector<1x16xf32>
        tpu.vector_store %swap3A_711[%swap3A_712, %swap3A_713], %swap3A_716 {add = true, strides = array<i32>} : memref<100x64xf32, #tpu.memory_space<vmem>>, vector<1x16xf32>,
        %add3A_717 = arith.constant 0 : i32
        %add3A_718 = arith.addi %add3A_717, %add3A_673 : i32
        %get3A_719 = arith.index_cast %add3A_718 : i32 to index
        %get3A_720 = arith.constant 48 : index
        %get3A_721 = tpu.vector_load %arg7[%get3A_719, %get3A_720] {strides = array<i32>} : memref<200x64xf32, #tpu.memory_space<vmem>>, vector<1x16xf32>,
        %get3A_722 = vector.shape_cast %get3A_721 : vector<1x16xf32> to vector<16xf32>
        %swap3A_723 = arith.constant 0 : i32
        %swap3A_724 = arith.constant 0 : i32
        %swap3A_725 = tpu.memref_slice %arg8[%scan3A, %swap3A_723, %swap3A_724] : memref<8x100x64xf32, #tpu.memory_space<vmem>> -> memref<1x100x64xf32, #tpu.memory_space<vmem>>
        %swap3A_726 = tpu.memref_squeeze %swap3A_725 : memref<1x100x64xf32, #tpu.memory_space<vmem>> -> memref<100x64xf32, #tpu.memory_space<vmem>>
        %swap3A_727 = arith.index_cast %add3A_673 : i32 to index
        %swap3A_728 = arith.constant 48 : index
        %swap3A_729 = tpu.vector_load %swap3A_726[%swap3A_727, %swap3A_728] {strides = array<i32>} : memref<100x64xf32, #tpu.memory_space<vmem>>, vector<1x16xf32>,
        %swap3A_730 = vector.shape_cast %swap3A_729 : vector<1x16xf32> to vector<16xf32>
        %swap3A_731 = vector.shape_cast %get3A_722 : vector<16xf32> to vector<1x16xf32>
        tpu.vector_store %swap3A_726[%swap3A_727, %swap3A_728], %swap3A_731 {add = true, strides = array<i32>} : memref<100x64xf32, #tpu.memory_space<vmem>>, vector<1x16xf32>,
      }
      %scan3A_365 = arith.constant 100 : i32
      %mul3A_366 = arith.constant 256 : i32
      %mul3A_367 = arith.muli %add3A, %mul3A_366 : i32
      %add3A_368 = arith.addi %mul3A_367, %add3A_350 : i32
      %div3A_369 = arith.constant 2 : i32
      %div3A_370 = arith.divsi %add3A_368, %div3A_369 : i32
      %rem3A_371 = arith.constant 2 : i32
      %rem3A_372 = arith.remsi %add3A_368, %rem3A_371 : i32
      %mul3A_373 = arith.constant 100 : i32
      %mul3A_374 = arith.muli %rem3A_372, %mul3A_373 : i32
      %dma_start3A_375 = arith.constant 0 : i32
      %dma_start3A_376 = arith.constant 0 : i32
      %dma_start3A_377 = tpu.memref_slice %arg8[%scan3A, %dma_start3A_375, %dma_start3A_376] : memref<8x100x64xf32, #tpu.memory_space<vmem>> -> memref<1x100x64xf32, #tpu.memory_space<vmem>>
      %dma_start3A_378 = tpu.memref_squeeze %dma_start3A_377 : memref<1x100x64xf32, #tpu.memory_space<vmem>> -> memref<100x64xf32, #tpu.memory_space<vmem>>
      %dma_start3A_379 = arith.constant 0 : i32
      %dma_start3A_380 = tpu.memref_slice %arg5[%div3A_370, %mul3A_374, %dma_start3A_379] : memref<4096x200x64xf32, #tpu.memory_space<hbm>> -> memref<1x100x64xf32, #tpu.memory_space<hbm>>
      %dma_start3A_381 = tpu.memref_squeeze %dma_start3A_380 : memref<1x100x64xf32, #tpu.memory_space<hbm>> -> memref<100x64xf32, #tpu.memory_space<hbm>>
      %dma_start3A_382 = arith.constant 0 : i32
      %dma_start3A_383 = tpu.memref_slice %arg5[%div3A_370, %mul3A_374, %dma_start3A_382] : memref<4096x200x64xf32, #tpu.memory_space<hbm>> -> memref<1x100x64xf32, #tpu.memory_space<hbm>>
      %dma_start3A_384 = tpu.memref_squeeze %dma_start3A_383 : memref<1x100x64xf32, #tpu.memory_space<hbm>> -> memref<100x64xf32, #tpu.memory_space<hbm>>
      %dma_start3A_385 = arith.constant 0 : i32
      %dma_start3A_386 = arith.constant 0 : i32
      %dma_start3A_387 = tpu.memref_slice %arg8[%scan3A, %dma_start3A_385, %dma_start3A_386] : memref<8x100x64xf32, #tpu.memory_space<vmem>> -> memref<1x100x64xf32, #tpu.memory_space<vmem>>
      %dma_start3A_388 = tpu.memref_squeeze %dma_start3A_387 : memref<1x100x64xf32, #tpu.memory_space<vmem>> -> memref<100x64xf32, #tpu.memory_space<vmem>>
      tpu.enqueue_dma source(%dma_start3A_388 : memref<100x64xf32, #tpu.memory_space<vmem>>) target(%dma_start3A_384 : memref<100x64xf32, #tpu.memory_space<hbm>>) target_semaphore(%arg17 : memref<!tpu.dma_semaphore, #tpu.memory_space<semaphore_mem>>)
      %add3A_389 = arith.constant 1 : i32
      %add3A_390 = arith.addi %add3A_216, %add3A_389 : i32
      %dma_wait3A_391 = arith.constant 0 : i32
      %dma_wait3A_392 = arith.constant 0 : i32
      %dma_wait3A_393 = tpu.memref_slice %arg8[%scan3A_3, %dma_wait3A_391, %dma_wait3A_392] : memref<8x100x64xf32, #tpu.memory_space<vmem>> -> memref<1x100x64xf32, #tpu.memory_space<vmem>>
      %dma_wait3A_394 = tpu.memref_squeeze %dma_wait3A_393 : memref<1x100x64xf32, #tpu.memory_space<vmem>> -> memref<100x64xf32, #tpu.memory_space<vmem>>
      %dma_wait3A_395 = arith.constant 0 : i32
      %dma_wait3A_396 = tpu.memref_slice %arg6[%add3A_266, %dma_wait3A_395] : memref<256x100xi32, #tpu.memory_space<vmem>> -> memref<1x100xi32, #tpu.memory_space<vmem>>
      %dma_wait3A_397 = tpu.memref_squeeze %dma_wait3A_396 : memref<1x100xi32, #tpu.memory_space<vmem>> -> memref<100xi32, #tpu.memory_space<vmem>>
      %dma_wait3A_398 = arith.constant 0 : i32
      %dma_wait3A_399 = arith.constant 0 : i32
      %dma_wait3A_400 = tpu.memref_slice %arg3[%dma_wait3A_398, %dma_wait3A_399] : memref<1000000x64xf32, #tpu.memory_space<hbm>> -> memref<1000000x64xf32, #tpu.memory_space<hbm>>
      tpu.wait_indirect_dma semaphore(%arg10 : memref<!tpu.dma_semaphore, #tpu.memory_space<semaphore_mem>>) src(%dma_wait3A_400 : memref<1000000x64xf32, #tpu.memory_space<hbm>>) dst(%dma_wait3A_394 : memref<100x64xf32, #tpu.memory_space<vmem>>)
      %scan3A_401 = arith.constant 0 : i32
      %scan3A_402 = arith.constant 100 : i32
      %scan3A_403 = arith.addi %scan3A_401, %scan3A_402 : i32
      %scan3A_404 = arith.constant 1 : i32
      scf.for %scan3A_669 = %scan3A_401 to %scan3A_403 step %scan3A_404  : i32 {
        %mul3A_670 = arith.constant 1 : i32
        %mul3A_671 = arith.muli %scan3A_669, %mul3A_670 : i32
        %add3A_672 = arith.constant 0 : i32
        %add3A_673 = arith.addi %add3A_672, %mul3A_671 : i32
        %add3A_674 = arith.constant 100 : i32
        %add3A_675 = arith.addi %add3A_674, %add3A_673 : i32
        %get3A = arith.index_cast %add3A_675 : i32 to index
        %get3A_676 = arith.constant 0 : index
        %get3A_677 = tpu.vector_load %arg7[%get3A, %get3A_676] {strides = array<i32>} : memref<200x64xf32, #tpu.memory_space<vmem>>, vector<1x16xf32>,
        %get3A_678 = vector.shape_cast %get3A_677 : vector<1x16xf32> to vector<16xf32>
        %swap3A = arith.constant 0 : i32
        %swap3A_679 = arith.constant 0 : i32
        %swap3A_680 = tpu.memref_slice %arg8[%scan3A_3, %swap3A, %swap3A_679] : memref<8x100x64xf32, #tpu.memory_space<vmem>> -> memref<1x100x64xf32, #tpu.memory_space<vmem>>
        %swap3A_681 = tpu.memref_squeeze %swap3A_680 : memref<1x100x64xf32, #tpu.memory_space<vmem>> -> memref<100x64xf32, #tpu.memory_space<vmem>>
        %swap3A_682 = arith.index_cast %add3A_673 : i32 to index
        %swap3A_683 = arith.constant 0 : index
        %swap3A_684 = tpu.vector_load %swap3A_681[%swap3A_682, %swap3A_683] {strides = array<i32>} : memref<100x64xf32, #tpu.memory_space<vmem>>, vector<1x16xf32>,
        %swap3A_685 = vector.shape_cast %swap3A_684 : vector<1x16xf32> to vector<16xf32>
        %swap3A_686 = vector.shape_cast %get3A_678 : vector<16xf32> to vector<1x16xf32>
        tpu.vector_store %swap3A_681[%swap3A_682, %swap3A_683], %swap3A_686 {add = true, strides = array<i32>} : memref<100x64xf32, #tpu.memory_space<vmem>>, vector<1x16xf32>,
        %add3A_687 = arith.constant 100 : i32
        %add3A_688 = arith.addi %add3A_687, %add3A_673 : i32
        %get3A_689 = arith.index_cast %add3A_688 : i32 to index
        %get3A_690 = arith.constant 16 : index
        %get3A_691 = tpu.vector_load %arg7[%get3A_689, %get3A_690] {strides = array<i32>} : memref<200x64xf32, #tpu.memory_space<vmem>>, vector<1x16xf32>,
        %get3A_692 = vector.shape_cast %get3A_691 : vector<1x16xf32> to vector<16xf32>
        %swap3A_693 = arith.constant 0 : i32
        %swap3A_694 = arith.constant 0 : i32
        %swap3A_695 = tpu.memref_slice %arg8[%scan3A_3, %swap3A_693, %swap3A_694] : memref<8x100x64xf32, #tpu.memory_space<vmem>> -> memref<1x100x64xf32, #tpu.memory_space<vmem>>
        %swap3A_696 = tpu.memref_squeeze %swap3A_695 : memref<1x100x64xf32, #tpu.memory_space<vmem>> -> memref<100x64xf32, #tpu.memory_space<vmem>>
        %swap3A_697 = arith.index_cast %add3A_673 : i32 to index
        %swap3A_698 = arith.constant 16 : index
        %swap3A_699 = tpu.vector_load %swap3A_696[%swap3A_697, %swap3A_698] {strides = array<i32>} : memref<100x64xf32, #tpu.memory_space<vmem>>, vector<1x16xf32>,
        %swap3A_700 = vector.shape_cast %swap3A_699 : vector<1x16xf32> to vector<16xf32>
        %swap3A_701 = vector.shape_cast %get3A_692 : vector<16xf32> to vector<1x16xf32>
        tpu.vector_store %swap3A_696[%swap3A_697, %swap3A_698], %swap3A_701 {add = true, strides = array<i32>} : memref<100x64xf32, #tpu.memory_space<vmem>>, vector<1x16xf32>,
        %add3A_702 = arith.constant 100 : i32
        %add3A_703 = arith.addi %add3A_702, %add3A_673 : i32
        %get3A_704 = arith.index_cast %add3A_703 : i32 to index
        %get3A_705 = arith.constant 32 : index
        %get3A_706 = tpu.vector_load %arg7[%get3A_704, %get3A_705] {strides = array<i32>} : memref<200x64xf32, #tpu.memory_space<vmem>>, vector<1x16xf32>,
        %get3A_707 = vector.shape_cast %get3A_706 : vector<1x16xf32> to vector<16xf32>
        %swap3A_708 = arith.constant 0 : i32
        %swap3A_709 = arith.constant 0 : i32
        %swap3A_710 = tpu.memref_slice %arg8[%scan3A_3, %swap3A_708, %swap3A_709] : memref<8x100x64xf32, #tpu.memory_space<vmem>> -> memref<1x100x64xf32, #tpu.memory_space<vmem>>
        %swap3A_711 = tpu.memref_squeeze %swap3A_710 : memref<1x100x64xf32, #tpu.memory_space<vmem>> -> memref<100x64xf32, #tpu.memory_space<vmem>>
        %swap3A_712 = arith.index_cast %add3A_673 : i32 to index
        %swap3A_713 = arith.constant 32 : index
        %swap3A_714 = tpu.vector_load %swap3A_711[%swap3A_712, %swap3A_713] {strides = array<i32>} : memref<100x64xf32, #tpu.memory_space<vmem>>, vector<1x16xf32>,
        %swap3A_715 = vector.shape_cast %swap3A_714 : vector<1x16xf32> to vector<16xf32>
        %swap3A_716 = vector.shape_cast %get3A_707 : vector<16xf32> to vector<1x16xf32>
        tpu.vector_store %swap3A_711[%swap3A_712, %swap3A_713], %swap3A_716 {add = true, strides = array<i32>} : memref<100x64xf32, #tpu.memory_space<vmem>>, vector<1x16xf32>,
        %add3A_717 = arith.constant 100 : i32
        %add3A_718 = arith.addi %add3A_717, %add3A_673 : i32
        %get3A_719 = arith.index_cast %add3A_718 : i32 to index
        %get3A_720 = arith.constant 48 : index
        %get3A_721 = tpu.vector_load %arg7[%get3A_719, %get3A_720] {strides = array<i32>} : memref<200x64xf32, #tpu.memory_space<vmem>>, vector<1x16xf32>,
        %get3A_722 = vector.shape_cast %get3A_721 : vector<1x16xf32> to vector<16xf32>
        %swap3A_723 = arith.constant 0 : i32
        %swap3A_724 = arith.constant 0 : i32
        %swap3A_725 = tpu.memref_slice %arg8[%scan3A_3, %swap3A_723, %swap3A_724] : memref<8x100x64xf32, #tpu.memory_space<vmem>> -> memref<1x100x64xf32, #tpu.memory_space<vmem>>
        %swap3A_726 = tpu.memref_squeeze %swap3A_725 : memref<1x100x64xf32, #tpu.memory_space<vmem>> -> memref<100x64xf32, #tpu.memory_space<vmem>>
        %swap3A_727 = arith.index_cast %add3A_673 : i32 to index
        %swap3A_728 = arith.constant 48 : index
        %swap3A_729 = tpu.vector_load %swap3A_726[%swap3A_727, %swap3A_728] {strides = array<i32>} : memref<100x64xf32, #tpu.memory_space<vmem>>, vector<1x16xf32>,
        %swap3A_730 = vector.shape_cast %swap3A_729 : vector<1x16xf32> to vector<16xf32>
        %swap3A_731 = vector.shape_cast %get3A_722 : vector<16xf32> to vector<1x16xf32>
        tpu.vector_store %swap3A_726[%swap3A_727, %swap3A_728], %swap3A_731 {add = true, strides = array<i32>} : memref<100x64xf32, #tpu.memory_space<vmem>>, vector<1x16xf32>,
      }
      %scan3A_405 = arith.constant 100 : i32
      %mul3A_406 = arith.constant 256 : i32
      %mul3A_407 = arith.muli %add3A, %mul3A_406 : i32
      %add3A_408 = arith.addi %mul3A_407, %add3A_390 : i32
      %div3A_409 = arith.constant 2 : i32
      %div3A_410 = arith.divsi %add3A_408, %div3A_409 : i32
      %rem3A_411 = arith.constant 2 : i32
      %rem3A_412 = arith.remsi %add3A_408, %rem3A_411 : i32
      %mul3A_413 = arith.constant 100 : i32
      %mul3A_414 = arith.muli %rem3A_412, %mul3A_413 : i32
      %dma_start3A_415 = arith.constant 0 : i32
      %dma_start3A_416 = arith.constant 0 : i32
      %dma_start3A_417 = tpu.memref_slice %arg8[%scan3A_3, %dma_start3A_415, %dma_start3A_416] : memref<8x100x64xf32, #tpu.memory_space<vmem>> -> memref<1x100x64xf32, #tpu.memory_space<vmem>>
      %dma_start3A_418 = tpu.memref_squeeze %dma_start3A_417 : memref<1x100x64xf32, #tpu.memory_space<vmem>> -> memref<100x64xf32, #tpu.memory_space<vmem>>
      %dma_start3A_419 = arith.constant 0 : i32
      %dma_start3A_420 = tpu.memref_slice %arg5[%div3A_410, %mul3A_414, %dma_start3A_419] : memref<4096x200x64xf32, #tpu.memory_space<hbm>> -> memref<1x100x64xf32, #tpu.memory_space<hbm>>
      %dma_start3A_421 = tpu.memref_squeeze %dma_start3A_420 : memref<1x100x64xf32, #tpu.memory_space<hbm>> -> memref<100x64xf32, #tpu.memory_space<hbm>>
      %dma_start3A_422 = arith.constant 0 : i32
      %dma_start3A_423 = tpu.memref_slice %arg5[%div3A_410, %mul3A_414, %dma_start3A_422] : memref<4096x200x64xf32, #tpu.memory_space<hbm>> -> memref<1x100x64xf32, #tpu.memory_space<hbm>>
      %dma_start3A_424 = tpu.memref_squeeze %dma_start3A_423 : memref<1x100x64xf32, #tpu.memory_space<hbm>> -> memref<100x64xf32, #tpu.memory_space<hbm>>
      %dma_start3A_425 = arith.constant 0 : i32
      %dma_start3A_426 = arith.constant 0 : i32
      %dma_start3A_427 = tpu.memref_slice %arg8[%scan3A_3, %dma_start3A_425, %dma_start3A_426] : memref<8x100x64xf32, #tpu.memory_space<vmem>> -> memref<1x100x64xf32, #tpu.memory_space<vmem>>
      %dma_start3A_428 = tpu.memref_squeeze %dma_start3A_427 : memref<1x100x64xf32, #tpu.memory_space<vmem>> -> memref<100x64xf32, #tpu.memory_space<vmem>>
      tpu.enqueue_dma source(%dma_start3A_428 : memref<100x64xf32, #tpu.memory_space<vmem>>) target(%dma_start3A_424 : memref<100x64xf32, #tpu.memory_space<hbm>>) target_semaphore(%arg18 : memref<!tpu.dma_semaphore, #tpu.memory_space<semaphore_mem>>)
      %add3A_429 = arith.constant 2 : i32
      %add3A_430 = arith.addi %add3A_216, %add3A_429 : i32
      %dma_wait3A_431 = arith.constant 0 : i32
      %dma_wait3A_432 = arith.constant 0 : i32
      %dma_wait3A_433 = tpu.memref_slice %arg8[%scan3A_4, %dma_wait3A_431, %dma_wait3A_432] : memref<8x100x64xf32, #tpu.memory_space<vmem>> -> memref<1x100x64xf32, #tpu.memory_space<vmem>>
      %dma_wait3A_434 = tpu.memref_squeeze %dma_wait3A_433 : memref<1x100x64xf32, #tpu.memory_space<vmem>> -> memref<100x64xf32, #tpu.memory_space<vmem>>
      %dma_wait3A_435 = arith.constant 0 : i32
      %dma_wait3A_436 = tpu.memref_slice %arg6[%add3A_278, %dma_wait3A_435] : memref<256x100xi32, #tpu.memory_space<vmem>> -> memref<1x100xi32, #tpu.memory_space<vmem>>
      %dma_wait3A_437 = tpu.memref_squeeze %dma_wait3A_436 : memref<1x100xi32, #tpu.memory_space<vmem>> -> memref<100xi32, #tpu.memory_space<vmem>>
      %dma_wait3A_438 = arith.constant 0 : i32
      %dma_wait3A_439 = arith.constant 0 : i32
      %dma_wait3A_440 = tpu.memref_slice %arg3[%dma_wait3A_438, %dma_wait3A_439] : memref<1000000x64xf32, #tpu.memory_space<hbm>> -> memref<1000000x64xf32, #tpu.memory_space<hbm>>
      tpu.wait_indirect_dma semaphore(%arg11 : memref<!tpu.dma_semaphore, #tpu.memory_space<semaphore_mem>>) src(%dma_wait3A_440 : memref<1000000x64xf32, #tpu.memory_space<hbm>>) dst(%dma_wait3A_434 : memref<100x64xf32, #tpu.memory_space<vmem>>)
      %scan3A_441 = arith.constant 0 : i32
      %scan3A_442 = arith.constant 100 : i32
      %scan3A_443 = arith.addi %scan3A_441, %scan3A_442 : i32
      %scan3A_444 = arith.constant 1 : i32
      scf.for %scan3A_669 = %scan3A_441 to %scan3A_443 step %scan3A_444  : i32 {
        %mul3A_670 = arith.constant 1 : i32
        %mul3A_671 = arith.muli %scan3A_669, %mul3A_670 : i32
        %add3A_672 = arith.constant 0 : i32
        %add3A_673 = arith.addi %add3A_672, %mul3A_671 : i32
        %add3A_674 = arith.constant 0 : i32
        %add3A_675 = arith.addi %add3A_674, %add3A_673 : i32
        %get3A = arith.index_cast %add3A_675 : i32 to index
        %get3A_676 = arith.constant 0 : index
        %get3A_677 = tpu.vector_load %arg7[%get3A, %get3A_676] {strides = array<i32>} : memref<200x64xf32, #tpu.memory_space<vmem>>, vector<1x16xf32>,
        %get3A_678 = vector.shape_cast %get3A_677 : vector<1x16xf32> to vector<16xf32>
        %swap3A = arith.constant 0 : i32
        %swap3A_679 = arith.constant 0 : i32
        %swap3A_680 = tpu.memref_slice %arg8[%scan3A_4, %swap3A, %swap3A_679] : memref<8x100x64xf32, #tpu.memory_space<vmem>> -> memref<1x100x64xf32, #tpu.memory_space<vmem>>
        %swap3A_681 = tpu.memref_squeeze %swap3A_680 : memref<1x100x64xf32, #tpu.memory_space<vmem>> -> memref<100x64xf32, #tpu.memory_space<vmem>>
        %swap3A_682 = arith.index_cast %add3A_673 : i32 to index
        %swap3A_683 = arith.constant 0 : index
        %swap3A_684 = tpu.vector_load %swap3A_681[%swap3A_682, %swap3A_683] {strides = array<i32>} : memref<100x64xf32, #tpu.memory_space<vmem>>, vector<1x16xf32>,
        %swap3A_685 = vector.shape_cast %swap3A_684 : vector<1x16xf32> to vector<16xf32>
        %swap3A_686 = vector.shape_cast %get3A_678 : vector<16xf32> to vector<1x16xf32>
        tpu.vector_store %swap3A_681[%swap3A_682, %swap3A_683], %swap3A_686 {add = true, strides = array<i32>} : memref<100x64xf32, #tpu.memory_space<vmem>>, vector<1x16xf32>,
        %add3A_687 = arith.constant 0 : i32
        %add3A_688 = arith.addi %add3A_687, %add3A_673 : i32
        %get3A_689 = arith.index_cast %add3A_688 : i32 to index
        %get3A_690 = arith.constant 16 : index
        %get3A_691 = tpu.vector_load %arg7[%get3A_689, %get3A_690] {strides = array<i32>} : memref<200x64xf32, #tpu.memory_space<vmem>>, vector<1x16xf32>,
        %get3A_692 = vector.shape_cast %get3A_691 : vector<1x16xf32> to vector<16xf32>
        %swap3A_693 = arith.constant 0 : i32
        %swap3A_694 = arith.constant 0 : i32
        %swap3A_695 = tpu.memref_slice %arg8[%scan3A_4, %swap3A_693, %swap3A_694] : memref<8x100x64xf32, #tpu.memory_space<vmem>> -> memref<1x100x64xf32, #tpu.memory_space<vmem>>
        %swap3A_696 = tpu.memref_squeeze %swap3A_695 : memref<1x100x64xf32, #tpu.memory_space<vmem>> -> memref<100x64xf32, #tpu.memory_space<vmem>>
        %swap3A_697 = arith.index_cast %add3A_673 : i32 to index
        %swap3A_698 = arith.constant 16 : index
        %swap3A_699 = tpu.vector_load %swap3A_696[%swap3A_697, %swap3A_698] {strides = array<i32>} : memref<100x64xf32, #tpu.memory_space<vmem>>, vector<1x16xf32>,
        %swap3A_700 = vector.shape_cast %swap3A_699 : vector<1x16xf32> to vector<16xf32>
        %swap3A_701 = vector.shape_cast %get3A_692 : vector<16xf32> to vector<1x16xf32>
        tpu.vector_store %swap3A_696[%swap3A_697, %swap3A_698], %swap3A_701 {add = true, strides = array<i32>} : memref<100x64xf32, #tpu.memory_space<vmem>>, vector<1x16xf32>,
        %add3A_702 = arith.constant 0 : i32
        %add3A_703 = arith.addi %add3A_702, %add3A_673 : i32
        %get3A_704 = arith.index_cast %add3A_703 : i32 to index
        %get3A_705 = arith.constant 32 : index
        %get3A_706 = tpu.vector_load %arg7[%get3A_704, %get3A_705] {strides = array<i32>} : memref<200x64xf32, #tpu.memory_space<vmem>>, vector<1x16xf32>,
        %get3A_707 = vector.shape_cast %get3A_706 : vector<1x16xf32> to vector<16xf32>
        %swap3A_708 = arith.constant 0 : i32
        %swap3A_709 = arith.constant 0 : i32
        %swap3A_710 = tpu.memref_slice %arg8[%scan3A_4, %swap3A_708, %swap3A_709] : memref<8x100x64xf32, #tpu.memory_space<vmem>> -> memref<1x100x64xf32, #tpu.memory_space<vmem>>
        %swap3A_711 = tpu.memref_squeeze %swap3A_710 : memref<1x100x64xf32, #tpu.memory_space<vmem>> -> memref<100x64xf32, #tpu.memory_space<vmem>>
        %swap3A_712 = arith.index_cast %add3A_673 : i32 to index
        %swap3A_713 = arith.constant 32 : index
        %swap3A_714 = tpu.vector_load %swap3A_711[%swap3A_712, %swap3A_713] {strides = array<i32>} : memref<100x64xf32, #tpu.memory_space<vmem>>, vector<1x16xf32>,
        %swap3A_715 = vector.shape_cast %swap3A_714 : vector<1x16xf32> to vector<16xf32>
        %swap3A_716 = vector.shape_cast %get3A_707 : vector<16xf32> to vector<1x16xf32>
        tpu.vector_store %swap3A_711[%swap3A_712, %swap3A_713], %swap3A_716 {add = true, strides = array<i32>} : memref<100x64xf32, #tpu.memory_space<vmem>>, vector<1x16xf32>,
        %add3A_717 = arith.constant 0 : i32
        %add3A_718 = arith.addi %add3A_717, %add3A_673 : i32
        %get3A_719 = arith.index_cast %add3A_718 : i32 to index
        %get3A_720 = arith.constant 48 : index
        %get3A_721 = tpu.vector_load %arg7[%get3A_719, %get3A_720] {strides = array<i32>} : memref<200x64xf32, #tpu.memory_space<vmem>>, vector<1x16xf32>,
        %get3A_722 = vector.shape_cast %get3A_721 : vector<1x16xf32> to vector<16xf32>
        %swap3A_723 = arith.constant 0 : i32
        %swap3A_724 = arith.constant 0 : i32
        %swap3A_725 = tpu.memref_slice %arg8[%scan3A_4, %swap3A_723, %swap3A_724] : memref<8x100x64xf32, #tpu.memory_space<vmem>> -> memref<1x100x64xf32, #tpu.memory_space<vmem>>
        %swap3A_726 = tpu.memref_squeeze %swap3A_725 : memref<1x100x64xf32, #tpu.memory_space<vmem>> -> memref<100x64xf32, #tpu.memory_space<vmem>>
        %swap3A_727 = arith.index_cast %add3A_673 : i32 to index
        %swap3A_728 = arith.constant 48 : index
        %swap3A_729 = tpu.vector_load %swap3A_726[%swap3A_727, %swap3A_728] {strides = array<i32>} : memref<100x64xf32, #tpu.memory_space<vmem>>, vector<1x16xf32>,
        %swap3A_730 = vector.shape_cast %swap3A_729 : vector<1x16xf32> to vector<16xf32>
        %swap3A_731 = vector.shape_cast %get3A_722 : vector<16xf32> to vector<1x16xf32>
        tpu.vector_store %swap3A_726[%swap3A_727, %swap3A_728], %swap3A_731 {add = true, strides = array<i32>} : memref<100x64xf32, #tpu.memory_space<vmem>>, vector<1x16xf32>,
      }
      %scan3A_445 = arith.constant 100 : i32
      %mul3A_446 = arith.constant 256 : i32
      %mul3A_447 = arith.muli %add3A, %mul3A_446 : i32
      %add3A_448 = arith.addi %mul3A_447, %add3A_430 : i32
      %div3A_449 = arith.constant 2 : i32
      %div3A_450 = arith.divsi %add3A_448, %div3A_449 : i32
      %rem3A_451 = arith.constant 2 : i32
      %rem3A_452 = arith.remsi %add3A_448, %rem3A_451 : i32
      %mul3A_453 = arith.constant 100 : i32
      %mul3A_454 = arith.muli %rem3A_452, %mul3A_453 : i32
      %dma_start3A_455 = arith.constant 0 : i32
      %dma_start3A_456 = arith.constant 0 : i32
      %dma_start3A_457 = tpu.memref_slice %arg8[%scan3A_4, %dma_start3A_455, %dma_start3A_456] : memref<8x100x64xf32, #tpu.memory_space<vmem>> -> memref<1x100x64xf32, #tpu.memory_space<vmem>>
      %dma_start3A_458 = tpu.memref_squeeze %dma_start3A_457 : memref<1x100x64xf32, #tpu.memory_space<vmem>> -> memref<100x64xf32, #tpu.memory_space<vmem>>
      %dma_start3A_459 = arith.constant 0 : i32
      %dma_start3A_460 = tpu.memref_slice %arg5[%div3A_450, %mul3A_454, %dma_start3A_459] : memref<4096x200x64xf32, #tpu.memory_space<hbm>> -> memref<1x100x64xf32, #tpu.memory_space<hbm>>
      %dma_start3A_461 = tpu.memref_squeeze %dma_start3A_460 : memref<1x100x64xf32, #tpu.memory_space<hbm>> -> memref<100x64xf32, #tpu.memory_space<hbm>>
      %dma_start3A_462 = arith.constant 0 : i32
      %dma_start3A_463 = tpu.memref_slice %arg5[%div3A_450, %mul3A_454, %dma_start3A_462] : memref<4096x200x64xf32, #tpu.memory_space<hbm>> -> memref<1x100x64xf32, #tpu.memory_space<hbm>>
      %dma_start3A_464 = tpu.memref_squeeze %dma_start3A_463 : memref<1x100x64xf32, #tpu.memory_space<hbm>> -> memref<100x64xf32, #tpu.memory_space<hbm>>
      %dma_start3A_465 = arith.constant 0 : i32
      %dma_start3A_466 = arith.constant 0 : i32
      %dma_start3A_467 = tpu.memref_slice %arg8[%scan3A_4, %dma_start3A_465, %dma_start3A_466] : memref<8x100x64xf32, #tpu.memory_space<vmem>> -> memref<1x100x64xf32, #tpu.memory_space<vmem>>
      %dma_start3A_468 = tpu.memref_squeeze %dma_start3A_467 : memref<1x100x64xf32, #tpu.memory_space<vmem>> -> memref<100x64xf32, #tpu.memory_space<vmem>>
      tpu.enqueue_dma source(%dma_start3A_468 : memref<100x64xf32, #tpu.memory_space<vmem>>) target(%dma_start3A_464 : memref<100x64xf32, #tpu.memory_space<hbm>>) target_semaphore(%arg19 : memref<!tpu.dma_semaphore, #tpu.memory_space<semaphore_mem>>)
      %add3A_469 = arith.constant 3 : i32
      %add3A_470 = arith.addi %add3A_216, %add3A_469 : i32
      %dma_wait3A_471 = arith.constant 0 : i32
      %dma_wait3A_472 = arith.constant 0 : i32
      %dma_wait3A_473 = tpu.memref_slice %arg8[%scan3A_5, %dma_wait3A_471, %dma_wait3A_472] : memref<8x100x64xf32, #tpu.memory_space<vmem>> -> memref<1x100x64xf32, #tpu.memory_space<vmem>>
      %dma_wait3A_474 = tpu.memref_squeeze %dma_wait3A_473 : memref<1x100x64xf32, #tpu.memory_space<vmem>> -> memref<100x64xf32, #tpu.memory_space<vmem>>
      %dma_wait3A_475 = arith.constant 0 : i32
      %dma_wait3A_476 = tpu.memref_slice %arg6[%add3A_290, %dma_wait3A_475] : memref<256x100xi32, #tpu.memory_space<vmem>> -> memref<1x100xi32, #tpu.memory_space<vmem>>
      %dma_wait3A_477 = tpu.memref_squeeze %dma_wait3A_476 : memref<1x100xi32, #tpu.memory_space<vmem>> -> memref<100xi32, #tpu.memory_space<vmem>>
      %dma_wait3A_478 = arith.constant 0 : i32
      %dma_wait3A_479 = arith.constant 0 : i32
      %dma_wait3A_480 = tpu.memref_slice %arg3[%dma_wait3A_478, %dma_wait3A_479] : memref<1000000x64xf32, #tpu.memory_space<hbm>> -> memref<1000000x64xf32, #tpu.memory_space<hbm>>
      tpu.wait_indirect_dma semaphore(%arg12 : memref<!tpu.dma_semaphore, #tpu.memory_space<semaphore_mem>>) src(%dma_wait3A_480 : memref<1000000x64xf32, #tpu.memory_space<hbm>>) dst(%dma_wait3A_474 : memref<100x64xf32, #tpu.memory_space<vmem>>)
      %scan3A_481 = arith.constant 0 : i32
      %scan3A_482 = arith.constant 100 : i32
      %scan3A_483 = arith.addi %scan3A_481, %scan3A_482 : i32
      %scan3A_484 = arith.constant 1 : i32
      scf.for %scan3A_669 = %scan3A_481 to %scan3A_483 step %scan3A_484  : i32 {
        %mul3A_670 = arith.constant 1 : i32
        %mul3A_671 = arith.muli %scan3A_669, %mul3A_670 : i32
        %add3A_672 = arith.constant 0 : i32
        %add3A_673 = arith.addi %add3A_672, %mul3A_671 : i32
        %add3A_674 = arith.constant 100 : i32
        %add3A_675 = arith.addi %add3A_674, %add3A_673 : i32
        %get3A = arith.index_cast %add3A_675 : i32 to index
        %get3A_676 = arith.constant 0 : index
        %get3A_677 = tpu.vector_load %arg7[%get3A, %get3A_676] {strides = array<i32>} : memref<200x64xf32, #tpu.memory_space<vmem>>, vector<1x16xf32>,
        %get3A_678 = vector.shape_cast %get3A_677 : vector<1x16xf32> to vector<16xf32>
        %swap3A = arith.constant 0 : i32
        %swap3A_679 = arith.constant 0 : i32
        %swap3A_680 = tpu.memref_slice %arg8[%scan3A_5, %swap3A, %swap3A_679] : memref<8x100x64xf32, #tpu.memory_space<vmem>> -> memref<1x100x64xf32, #tpu.memory_space<vmem>>
        %swap3A_681 = tpu.memref_squeeze %swap3A_680 : memref<1x100x64xf32, #tpu.memory_space<vmem>> -> memref<100x64xf32, #tpu.memory_space<vmem>>
        %swap3A_682 = arith.index_cast %add3A_673 : i32 to index
        %swap3A_683 = arith.constant 0 : index
        %swap3A_684 = tpu.vector_load %swap3A_681[%swap3A_682, %swap3A_683] {strides = array<i32>} : memref<100x64xf32, #tpu.memory_space<vmem>>, vector<1x16xf32>,
        %swap3A_685 = vector.shape_cast %swap3A_684 : vector<1x16xf32> to vector<16xf32>
        %swap3A_686 = vector.shape_cast %get3A_678 : vector<16xf32> to vector<1x16xf32>
        tpu.vector_store %swap3A_681[%swap3A_682, %swap3A_683], %swap3A_686 {add = true, strides = array<i32>} : memref<100x64xf32, #tpu.memory_space<vmem>>, vector<1x16xf32>,
        %add3A_687 = arith.constant 100 : i32
        %add3A_688 = arith.addi %add3A_687, %add3A_673 : i32
        %get3A_689 = arith.index_cast %add3A_688 : i32 to index
        %get3A_690 = arith.constant 16 : index
        %get3A_691 = tpu.vector_load %arg7[%get3A_689, %get3A_690] {strides = array<i32>} : memref<200x64xf32, #tpu.memory_space<vmem>>, vector<1x16xf32>,
        %get3A_692 = vector.shape_cast %get3A_691 : vector<1x16xf32> to vector<16xf32>
        %swap3A_693 = arith.constant 0 : i32
        %swap3A_694 = arith.constant 0 : i32
        %swap3A_695 = tpu.memref_slice %arg8[%scan3A_5, %swap3A_693, %swap3A_694] : memref<8x100x64xf32, #tpu.memory_space<vmem>> -> memref<1x100x64xf32, #tpu.memory_space<vmem>>
        %swap3A_696 = tpu.memref_squeeze %swap3A_695 : memref<1x100x64xf32, #tpu.memory_space<vmem>> -> memref<100x64xf32, #tpu.memory_space<vmem>>
        %swap3A_697 = arith.index_cast %add3A_673 : i32 to index
        %swap3A_698 = arith.constant 16 : index
        %swap3A_699 = tpu.vector_load %swap3A_696[%swap3A_697, %swap3A_698] {strides = array<i32>} : memref<100x64xf32, #tpu.memory_space<vmem>>, vector<1x16xf32>,
        %swap3A_700 = vector.shape_cast %swap3A_699 : vector<1x16xf32> to vector<16xf32>
        %swap3A_701 = vector.shape_cast %get3A_692 : vector<16xf32> to vector<1x16xf32>
        tpu.vector_store %swap3A_696[%swap3A_697, %swap3A_698], %swap3A_701 {add = true, strides = array<i32>} : memref<100x64xf32, #tpu.memory_space<vmem>>, vector<1x16xf32>,
        %add3A_702 = arith.constant 100 : i32
        %add3A_703 = arith.addi %add3A_702, %add3A_673 : i32
        %get3A_704 = arith.index_cast %add3A_703 : i32 to index
        %get3A_705 = arith.constant 32 : index
        %get3A_706 = tpu.vector_load %arg7[%get3A_704, %get3A_705] {strides = array<i32>} : memref<200x64xf32, #tpu.memory_space<vmem>>, vector<1x16xf32>,
        %get3A_707 = vector.shape_cast %get3A_706 : vector<1x16xf32> to vector<16xf32>
        %swap3A_708 = arith.constant 0 : i32
        %swap3A_709 = arith.constant 0 : i32
        %swap3A_710 = tpu.memref_slice %arg8[%scan3A_5, %swap3A_708, %swap3A_709] : memref<8x100x64xf32, #tpu.memory_space<vmem>> -> memref<1x100x64xf32, #tpu.memory_space<vmem>>
        %swap3A_711 = tpu.memref_squeeze %swap3A_710 : memref<1x100x64xf32, #tpu.memory_space<vmem>> -> memref<100x64xf32, #tpu.memory_space<vmem>>
        %swap3A_712 = arith.index_cast %add3A_673 : i32 to index
        %swap3A_713 = arith.constant 32 : index
        %swap3A_714 = tpu.vector_load %swap3A_711[%swap3A_712, %swap3A_713] {strides = array<i32>} : memref<100x64xf32, #tpu.memory_space<vmem>>, vector<1x16xf32>,
        %swap3A_715 = vector.shape_cast %swap3A_714 : vector<1x16xf32> to vector<16xf32>
        %swap3A_716 = vector.shape_cast %get3A_707 : vector<16xf32> to vector<1x16xf32>
        tpu.vector_store %swap3A_711[%swap3A_712, %swap3A_713], %swap3A_716 {add = true, strides = array<i32>} : memref<100x64xf32, #tpu.memory_space<vmem>>, vector<1x16xf32>,
        %add3A_717 = arith.constant 100 : i32
        %add3A_718 = arith.addi %add3A_717, %add3A_673 : i32
        %get3A_719 = arith.index_cast %add3A_718 : i32 to index
        %get3A_720 = arith.constant 48 : index
        %get3A_721 = tpu.vector_load %arg7[%get3A_719, %get3A_720] {strides = array<i32>} : memref<200x64xf32, #tpu.memory_space<vmem>>, vector<1x16xf32>,
        %get3A_722 = vector.shape_cast %get3A_721 : vector<1x16xf32> to vector<16xf32>
        %swap3A_723 = arith.constant 0 : i32
        %swap3A_724 = arith.constant 0 : i32
        %swap3A_725 = tpu.memref_slice %arg8[%scan3A_5, %swap3A_723, %swap3A_724] : memref<8x100x64xf32, #tpu.memory_space<vmem>> -> memref<1x100x64xf32, #tpu.memory_space<vmem>>
        %swap3A_726 = tpu.memref_squeeze %swap3A_725 : memref<1x100x64xf32, #tpu.memory_space<vmem>> -> memref<100x64xf32, #tpu.memory_space<vmem>>
        %swap3A_727 = arith.index_cast %add3A_673 : i32 to index
        %swap3A_728 = arith.constant 48 : index
        %swap3A_729 = tpu.vector_load %swap3A_726[%swap3A_727, %swap3A_728] {strides = array<i32>} : memref<100x64xf32, #tpu.memory_space<vmem>>, vector<1x16xf32>,
        %swap3A_730 = vector.shape_cast %swap3A_729 : vector<1x16xf32> to vector<16xf32>
        %swap3A_731 = vector.shape_cast %get3A_722 : vector<16xf32> to vector<1x16xf32>
        tpu.vector_store %swap3A_726[%swap3A_727, %swap3A_728], %swap3A_731 {add = true, strides = array<i32>} : memref<100x64xf32, #tpu.memory_space<vmem>>, vector<1x16xf32>,
      }
      %scan3A_485 = arith.constant 100 : i32
      %mul3A_486 = arith.constant 256 : i32
      %mul3A_487 = arith.muli %add3A, %mul3A_486 : i32
      %add3A_488 = arith.addi %mul3A_487, %add3A_470 : i32
      %div3A_489 = arith.constant 2 : i32
      %div3A_490 = arith.divsi %add3A_488, %div3A_489 : i32
      %rem3A_491 = arith.constant 2 : i32
      %rem3A_492 = arith.remsi %add3A_488, %rem3A_491 : i32
      %mul3A_493 = arith.constant 100 : i32
      %mul3A_494 = arith.muli %rem3A_492, %mul3A_493 : i32
      %dma_start3A_495 = arith.constant 0 : i32
      %dma_start3A_496 = arith.constant 0 : i32
      %dma_start3A_497 = tpu.memref_slice %arg8[%scan3A_5, %dma_start3A_495, %dma_start3A_496] : memref<8x100x64xf32, #tpu.memory_space<vmem>> -> memref<1x100x64xf32, #tpu.memory_space<vmem>>
      %dma_start3A_498 = tpu.memref_squeeze %dma_start3A_497 : memref<1x100x64xf32, #tpu.memory_space<vmem>> -> memref<100x64xf32, #tpu.memory_space<vmem>>
      %dma_start3A_499 = arith.constant 0 : i32
      %dma_start3A_500 = tpu.memref_slice %arg5[%div3A_490, %mul3A_494, %dma_start3A_499] : memref<4096x200x64xf32, #tpu.memory_space<hbm>> -> memref<1x100x64xf32, #tpu.memory_space<hbm>>
      %dma_start3A_501 = tpu.memref_squeeze %dma_start3A_500 : memref<1x100x64xf32, #tpu.memory_space<hbm>> -> memref<100x64xf32, #tpu.memory_space<hbm>>
      %dma_start3A_502 = arith.constant 0 : i32
      %dma_start3A_503 = tpu.memref_slice %arg5[%div3A_490, %mul3A_494, %dma_start3A_502] : memref<4096x200x64xf32, #tpu.memory_space<hbm>> -> memref<1x100x64xf32, #tpu.memory_space<hbm>>
      %dma_start3A_504 = tpu.memref_squeeze %dma_start3A_503 : memref<1x100x64xf32, #tpu.memory_space<hbm>> -> memref<100x64xf32, #tpu.memory_space<hbm>>
      %dma_start3A_505 = arith.constant 0 : i32
      %dma_start3A_506 = arith.constant 0 : i32
      %dma_start3A_507 = tpu.memref_slice %arg8[%scan3A_5, %dma_start3A_505, %dma_start3A_506] : memref<8x100x64xf32, #tpu.memory_space<vmem>> -> memref<1x100x64xf32, #tpu.memory_space<vmem>>
      %dma_start3A_508 = tpu.memref_squeeze %dma_start3A_507 : memref<1x100x64xf32, #tpu.memory_space<vmem>> -> memref<100x64xf32, #tpu.memory_space<vmem>>
      tpu.enqueue_dma source(%dma_start3A_508 : memref<100x64xf32, #tpu.memory_space<vmem>>) target(%dma_start3A_504 : memref<100x64xf32, #tpu.memory_space<hbm>>) target_semaphore(%arg20 : memref<!tpu.dma_semaphore, #tpu.memory_space<semaphore_mem>>)
      %add3A_509 = arith.constant 4 : i32
      %add3A_510 = arith.addi %add3A_216, %add3A_509 : i32
      %dma_wait3A_511 = arith.constant 0 : i32
      %dma_wait3A_512 = arith.constant 0 : i32
      %dma_wait3A_513 = tpu.memref_slice %arg8[%scan3A_6, %dma_wait3A_511, %dma_wait3A_512] : memref<8x100x64xf32, #tpu.memory_space<vmem>> -> memref<1x100x64xf32, #tpu.memory_space<vmem>>
      %dma_wait3A_514 = tpu.memref_squeeze %dma_wait3A_513 : memref<1x100x64xf32, #tpu.memory_space<vmem>> -> memref<100x64xf32, #tpu.memory_space<vmem>>
      %dma_wait3A_515 = arith.constant 0 : i32
      %dma_wait3A_516 = tpu.memref_slice %arg6[%add3A_302, %dma_wait3A_515] : memref<256x100xi32, #tpu.memory_space<vmem>> -> memref<1x100xi32, #tpu.memory_space<vmem>>
      %dma_wait3A_517 = tpu.memref_squeeze %dma_wait3A_516 : memref<1x100xi32, #tpu.memory_space<vmem>> -> memref<100xi32, #tpu.memory_space<vmem>>
      %dma_wait3A_518 = arith.constant 0 : i32
      %dma_wait3A_519 = arith.constant 0 : i32
      %dma_wait3A_520 = tpu.memref_slice %arg3[%dma_wait3A_518, %dma_wait3A_519] : memref<1000000x64xf32, #tpu.memory_space<hbm>> -> memref<1000000x64xf32, #tpu.memory_space<hbm>>
      tpu.wait_indirect_dma semaphore(%arg13 : memref<!tpu.dma_semaphore, #tpu.memory_space<semaphore_mem>>) src(%dma_wait3A_520 : memref<1000000x64xf32, #tpu.memory_space<hbm>>) dst(%dma_wait3A_514 : memref<100x64xf32, #tpu.memory_space<vmem>>)
      %scan3A_521 = arith.constant 0 : i32
      %scan3A_522 = arith.constant 100 : i32
      %scan3A_523 = arith.addi %scan3A_521, %scan3A_522 : i32
      %scan3A_524 = arith.constant 1 : i32
      scf.for %scan3A_669 = %scan3A_521 to %scan3A_523 step %scan3A_524  : i32 {
        %mul3A_670 = arith.constant 1 : i32
        %mul3A_671 = arith.muli %scan3A_669, %mul3A_670 : i32
        %add3A_672 = arith.constant 0 : i32
        %add3A_673 = arith.addi %add3A_672, %mul3A_671 : i32
        %add3A_674 = arith.constant 0 : i32
        %add3A_675 = arith.addi %add3A_674, %add3A_673 : i32
        %get3A = arith.index_cast %add3A_675 : i32 to index
        %get3A_676 = arith.constant 0 : index
        %get3A_677 = tpu.vector_load %arg7[%get3A, %get3A_676] {strides = array<i32>} : memref<200x64xf32, #tpu.memory_space<vmem>>, vector<1x16xf32>,
        %get3A_678 = vector.shape_cast %get3A_677 : vector<1x16xf32> to vector<16xf32>
        %swap3A = arith.constant 0 : i32
        %swap3A_679 = arith.constant 0 : i32
        %swap3A_680 = tpu.memref_slice %arg8[%scan3A_6, %swap3A, %swap3A_679] : memref<8x100x64xf32, #tpu.memory_space<vmem>> -> memref<1x100x64xf32, #tpu.memory_space<vmem>>
        %swap3A_681 = tpu.memref_squeeze %swap3A_680 : memref<1x100x64xf32, #tpu.memory_space<vmem>> -> memref<100x64xf32, #tpu.memory_space<vmem>>
        %swap3A_682 = arith.index_cast %add3A_673 : i32 to index
        %swap3A_683 = arith.constant 0 : index
        %swap3A_684 = tpu.vector_load %swap3A_681[%swap3A_682, %swap3A_683] {strides = array<i32>} : memref<100x64xf32, #tpu.memory_space<vmem>>, vector<1x16xf32>,
        %swap3A_685 = vector.shape_cast %swap3A_684 : vector<1x16xf32> to vector<16xf32>
        %swap3A_686 = vector.shape_cast %get3A_678 : vector<16xf32> to vector<1x16xf32>
        tpu.vector_store %swap3A_681[%swap3A_682, %swap3A_683], %swap3A_686 {add = true, strides = array<i32>} : memref<100x64xf32, #tpu.memory_space<vmem>>, vector<1x16xf32>,
        %add3A_687 = arith.constant 0 : i32
        %add3A_688 = arith.addi %add3A_687, %add3A_673 : i32
        %get3A_689 = arith.index_cast %add3A_688 : i32 to index
        %get3A_690 = arith.constant 16 : index
        %get3A_691 = tpu.vector_load %arg7[%get3A_689, %get3A_690] {strides = array<i32>} : memref<200x64xf32, #tpu.memory_space<vmem>>, vector<1x16xf32>,
        %get3A_692 = vector.shape_cast %get3A_691 : vector<1x16xf32> to vector<16xf32>
        %swap3A_693 = arith.constant 0 : i32
        %swap3A_694 = arith.constant 0 : i32
        %swap3A_695 = tpu.memref_slice %arg8[%scan3A_6, %swap3A_693, %swap3A_694] : memref<8x100x64xf32, #tpu.memory_space<vmem>> -> memref<1x100x64xf32, #tpu.memory_space<vmem>>
        %swap3A_696 = tpu.memref_squeeze %swap3A_695 : memref<1x100x64xf32, #tpu.memory_space<vmem>> -> memref<100x64xf32, #tpu.memory_space<vmem>>
        %swap3A_697 = arith.index_cast %add3A_673 : i32 to index
        %swap3A_698 = arith.constant 16 : index
        %swap3A_699 = tpu.vector_load %swap3A_696[%swap3A_697, %swap3A_698] {strides = array<i32>} : memref<100x64xf32, #tpu.memory_space<vmem>>, vector<1x16xf32>,
        %swap3A_700 = vector.shape_cast %swap3A_699 : vector<1x16xf32> to vector<16xf32>
        %swap3A_701 = vector.shape_cast %get3A_692 : vector<16xf32> to vector<1x16xf32>
        tpu.vector_store %swap3A_696[%swap3A_697, %swap3A_698], %swap3A_701 {add = true, strides = array<i32>} : memref<100x64xf32, #tpu.memory_space<vmem>>, vector<1x16xf32>,
        %add3A_702 = arith.constant 0 : i32
        %add3A_703 = arith.addi %add3A_702, %add3A_673 : i32
        %get3A_704 = arith.index_cast %add3A_703 : i32 to index
        %get3A_705 = arith.constant 32 : index
        %get3A_706 = tpu.vector_load %arg7[%get3A_704, %get3A_705] {strides = array<i32>} : memref<200x64xf32, #tpu.memory_space<vmem>>, vector<1x16xf32>,
        %get3A_707 = vector.shape_cast %get3A_706 : vector<1x16xf32> to vector<16xf32>
        %swap3A_708 = arith.constant 0 : i32
        %swap3A_709 = arith.constant 0 : i32
        %swap3A_710 = tpu.memref_slice %arg8[%scan3A_6, %swap3A_708, %swap3A_709] : memref<8x100x64xf32, #tpu.memory_space<vmem>> -> memref<1x100x64xf32, #tpu.memory_space<vmem>>
        %swap3A_711 = tpu.memref_squeeze %swap3A_710 : memref<1x100x64xf32, #tpu.memory_space<vmem>> -> memref<100x64xf32, #tpu.memory_space<vmem>>
        %swap3A_712 = arith.index_cast %add3A_673 : i32 to index
        %swap3A_713 = arith.constant 32 : index
        %swap3A_714 = tpu.vector_load %swap3A_711[%swap3A_712, %swap3A_713] {strides = array<i32>} : memref<100x64xf32, #tpu.memory_space<vmem>>, vector<1x16xf32>,
        %swap3A_715 = vector.shape_cast %swap3A_714 : vector<1x16xf32> to vector<16xf32>
        %swap3A_716 = vector.shape_cast %get3A_707 : vector<16xf32> to vector<1x16xf32>
        tpu.vector_store %swap3A_711[%swap3A_712, %swap3A_713], %swap3A_716 {add = true, strides = array<i32>} : memref<100x64xf32, #tpu.memory_space<vmem>>, vector<1x16xf32>,
        %add3A_717 = arith.constant 0 : i32
        %add3A_718 = arith.addi %add3A_717, %add3A_673 : i32
        %get3A_719 = arith.index_cast %add3A_718 : i32 to index
        %get3A_720 = arith.constant 48 : index
        %get3A_721 = tpu.vector_load %arg7[%get3A_719, %get3A_720] {strides = array<i32>} : memref<200x64xf32, #tpu.memory_space<vmem>>, vector<1x16xf32>,
        %get3A_722 = vector.shape_cast %get3A_721 : vector<1x16xf32> to vector<16xf32>
        %swap3A_723 = arith.constant 0 : i32
        %swap3A_724 = arith.constant 0 : i32
        %swap3A_725 = tpu.memref_slice %arg8[%scan3A_6, %swap3A_723, %swap3A_724] : memref<8x100x64xf32, #tpu.memory_space<vmem>> -> memref<1x100x64xf32, #tpu.memory_space<vmem>>
        %swap3A_726 = tpu.memref_squeeze %swap3A_725 : memref<1x100x64xf32, #tpu.memory_space<vmem>> -> memref<100x64xf32, #tpu.memory_space<vmem>>
        %swap3A_727 = arith.index_cast %add3A_673 : i32 to index
        %swap3A_728 = arith.constant 48 : index
        %swap3A_729 = tpu.vector_load %swap3A_726[%swap3A_727, %swap3A_728] {strides = array<i32>} : memref<100x64xf32, #tpu.memory_space<vmem>>, vector<1x16xf32>,
        %swap3A_730 = vector.shape_cast %swap3A_729 : vector<1x16xf32> to vector<16xf32>
        %swap3A_731 = vector.shape_cast %get3A_722 : vector<16xf32> to vector<1x16xf32>
        tpu.vector_store %swap3A_726[%swap3A_727, %swap3A_728], %swap3A_731 {add = true, strides = array<i32>} : memref<100x64xf32, #tpu.memory_space<vmem>>, vector<1x16xf32>,
      }
      %scan3A_525 = arith.constant 100 : i32
      %mul3A_526 = arith.constant 256 : i32
      %mul3A_527 = arith.muli %add3A, %mul3A_526 : i32
      %add3A_528 = arith.addi %mul3A_527, %add3A_510 : i32
      %div3A_529 = arith.constant 2 : i32
      %div3A_530 = arith.divsi %add3A_528, %div3A_529 : i32
      %rem3A_531 = arith.constant 2 : i32
      %rem3A_532 = arith.remsi %add3A_528, %rem3A_531 : i32
      %mul3A_533 = arith.constant 100 : i32
      %mul3A_534 = arith.muli %rem3A_532, %mul3A_533 : i32
      %dma_start3A_535 = arith.constant 0 : i32
      %dma_start3A_536 = arith.constant 0 : i32
      %dma_start3A_537 = tpu.memref_slice %arg8[%scan3A_6, %dma_start3A_535, %dma_start3A_536] : memref<8x100x64xf32, #tpu.memory_space<vmem>> -> memref<1x100x64xf32, #tpu.memory_space<vmem>>
      %dma_start3A_538 = tpu.memref_squeeze %dma_start3A_537 : memref<1x100x64xf32, #tpu.memory_space<vmem>> -> memref<100x64xf32, #tpu.memory_space<vmem>>
      %dma_start3A_539 = arith.constant 0 : i32
      %dma_start3A_540 = tpu.memref_slice %arg5[%div3A_530, %mul3A_534, %dma_start3A_539] : memref<4096x200x64xf32, #tpu.memory_space<hbm>> -> memref<1x100x64xf32, #tpu.memory_space<hbm>>
      %dma_start3A_541 = tpu.memref_squeeze %dma_start3A_540 : memref<1x100x64xf32, #tpu.memory_space<hbm>> -> memref<100x64xf32, #tpu.memory_space<hbm>>
      %dma_start3A_542 = arith.constant 0 : i32
      %dma_start3A_543 = tpu.memref_slice %arg5[%div3A_530, %mul3A_534, %dma_start3A_542] : memref<4096x200x64xf32, #tpu.memory_space<hbm>> -> memref<1x100x64xf32, #tpu.memory_space<hbm>>
      %dma_start3A_544 = tpu.memref_squeeze %dma_start3A_543 : memref<1x100x64xf32, #tpu.memory_space<hbm>> -> memref<100x64xf32, #tpu.memory_space<hbm>>
      %dma_start3A_545 = arith.constant 0 : i32
      %dma_start3A_546 = arith.constant 0 : i32
      %dma_start3A_547 = tpu.memref_slice %arg8[%scan3A_6, %dma_start3A_545, %dma_start3A_546] : memref<8x100x64xf32, #tpu.memory_space<vmem>> -> memref<1x100x64xf32, #tpu.memory_space<vmem>>
      %dma_start3A_548 = tpu.memref_squeeze %dma_start3A_547 : memref<1x100x64xf32, #tpu.memory_space<vmem>> -> memref<100x64xf32, #tpu.memory_space<vmem>>
      tpu.enqueue_dma source(%dma_start3A_548 : memref<100x64xf32, #tpu.memory_space<vmem>>) target(%dma_start3A_544 : memref<100x64xf32, #tpu.memory_space<hbm>>) target_semaphore(%arg21 : memref<!tpu.dma_semaphore, #tpu.memory_space<semaphore_mem>>)
      %add3A_549 = arith.constant 5 : i32
      %add3A_550 = arith.addi %add3A_216, %add3A_549 : i32
      %dma_wait3A_551 = arith.constant 0 : i32
      %dma_wait3A_552 = arith.constant 0 : i32
      %dma_wait3A_553 = tpu.memref_slice %arg8[%scan3A_7, %dma_wait3A_551, %dma_wait3A_552] : memref<8x100x64xf32, #tpu.memory_space<vmem>> -> memref<1x100x64xf32, #tpu.memory_space<vmem>>
      %dma_wait3A_554 = tpu.memref_squeeze %dma_wait3A_553 : memref<1x100x64xf32, #tpu.memory_space<vmem>> -> memref<100x64xf32, #tpu.memory_space<vmem>>
      %dma_wait3A_555 = arith.constant 0 : i32
      %dma_wait3A_556 = tpu.memref_slice %arg6[%add3A_314, %dma_wait3A_555] : memref<256x100xi32, #tpu.memory_space<vmem>> -> memref<1x100xi32, #tpu.memory_space<vmem>>
      %dma_wait3A_557 = tpu.memref_squeeze %dma_wait3A_556 : memref<1x100xi32, #tpu.memory_space<vmem>> -> memref<100xi32, #tpu.memory_space<vmem>>
      %dma_wait3A_558 = arith.constant 0 : i32
      %dma_wait3A_559 = arith.constant 0 : i32
      %dma_wait3A_560 = tpu.memref_slice %arg3[%dma_wait3A_558, %dma_wait3A_559] : memref<1000000x64xf32, #tpu.memory_space<hbm>> -> memref<1000000x64xf32, #tpu.memory_space<hbm>>
      tpu.wait_indirect_dma semaphore(%arg14 : memref<!tpu.dma_semaphore, #tpu.memory_space<semaphore_mem>>) src(%dma_wait3A_560 : memref<1000000x64xf32, #tpu.memory_space<hbm>>) dst(%dma_wait3A_554 : memref<100x64xf32, #tpu.memory_space<vmem>>)
      %scan3A_561 = arith.constant 0 : i32
      %scan3A_562 = arith.constant 100 : i32
      %scan3A_563 = arith.addi %scan3A_561, %scan3A_562 : i32
      %scan3A_564 = arith.constant 1 : i32
      scf.for %scan3A_669 = %scan3A_561 to %scan3A_563 step %scan3A_564  : i32 {
        %mul3A_670 = arith.constant 1 : i32
        %mul3A_671 = arith.muli %scan3A_669, %mul3A_670 : i32
        %add3A_672 = arith.constant 0 : i32
        %add3A_673 = arith.addi %add3A_672, %mul3A_671 : i32
        %add3A_674 = arith.constant 100 : i32
        %add3A_675 = arith.addi %add3A_674, %add3A_673 : i32
        %get3A = arith.index_cast %add3A_675 : i32 to index
        %get3A_676 = arith.constant 0 : index
        %get3A_677 = tpu.vector_load %arg7[%get3A, %get3A_676] {strides = array<i32>} : memref<200x64xf32, #tpu.memory_space<vmem>>, vector<1x16xf32>,
        %get3A_678 = vector.shape_cast %get3A_677 : vector<1x16xf32> to vector<16xf32>
        %swap3A = arith.constant 0 : i32
        %swap3A_679 = arith.constant 0 : i32
        %swap3A_680 = tpu.memref_slice %arg8[%scan3A_7, %swap3A, %swap3A_679] : memref<8x100x64xf32, #tpu.memory_space<vmem>> -> memref<1x100x64xf32, #tpu.memory_space<vmem>>
        %swap3A_681 = tpu.memref_squeeze %swap3A_680 : memref<1x100x64xf32, #tpu.memory_space<vmem>> -> memref<100x64xf32, #tpu.memory_space<vmem>>
        %swap3A_682 = arith.index_cast %add3A_673 : i32 to index
        %swap3A_683 = arith.constant 0 : index
        %swap3A_684 = tpu.vector_load %swap3A_681[%swap3A_682, %swap3A_683] {strides = array<i32>} : memref<100x64xf32, #tpu.memory_space<vmem>>, vector<1x16xf32>,
        %swap3A_685 = vector.shape_cast %swap3A_684 : vector<1x16xf32> to vector<16xf32>
        %swap3A_686 = vector.shape_cast %get3A_678 : vector<16xf32> to vector<1x16xf32>
        tpu.vector_store %swap3A_681[%swap3A_682, %swap3A_683], %swap3A_686 {add = true, strides = array<i32>} : memref<100x64xf32, #tpu.memory_space<vmem>>, vector<1x16xf32>,
        %add3A_687 = arith.constant 100 : i32
        %add3A_688 = arith.addi %add3A_687, %add3A_673 : i32
        %get3A_689 = arith.index_cast %add3A_688 : i32 to index
        %get3A_690 = arith.constant 16 : index
        %get3A_691 = tpu.vector_load %arg7[%get3A_689, %get3A_690] {strides = array<i32>} : memref<200x64xf32, #tpu.memory_space<vmem>>, vector<1x16xf32>,
        %get3A_692 = vector.shape_cast %get3A_691 : vector<1x16xf32> to vector<16xf32>
        %swap3A_693 = arith.constant 0 : i32
        %swap3A_694 = arith.constant 0 : i32
        %swap3A_695 = tpu.memref_slice %arg8[%scan3A_7, %swap3A_693, %swap3A_694] : memref<8x100x64xf32, #tpu.memory_space<vmem>> -> memref<1x100x64xf32, #tpu.memory_space<vmem>>
        %swap3A_696 = tpu.memref_squeeze %swap3A_695 : memref<1x100x64xf32, #tpu.memory_space<vmem>> -> memref<100x64xf32, #tpu.memory_space<vmem>>
        %swap3A_697 = arith.index_cast %add3A_673 : i32 to index
        %swap3A_698 = arith.constant 16 : index
        %swap3A_699 = tpu.vector_load %swap3A_696[%swap3A_697, %swap3A_698] {strides = array<i32>} : memref<100x64xf32, #tpu.memory_space<vmem>>, vector<1x16xf32>,
        %swap3A_700 = vector.shape_cast %swap3A_699 : vector<1x16xf32> to vector<16xf32>
        %swap3A_701 = vector.shape_cast %get3A_692 : vector<16xf32> to vector<1x16xf32>
        tpu.vector_store %swap3A_696[%swap3A_697, %swap3A_698], %swap3A_701 {add = true, strides = array<i32>} : memref<100x64xf32, #tpu.memory_space<vmem>>, vector<1x16xf32>,
        %add3A_702 = arith.constant 100 : i32
        %add3A_703 = arith.addi %add3A_702, %add3A_673 : i32
        %get3A_704 = arith.index_cast %add3A_703 : i32 to index
        %get3A_705 = arith.constant 32 : index
        %get3A_706 = tpu.vector_load %arg7[%get3A_704, %get3A_705] {strides = array<i32>} : memref<200x64xf32, #tpu.memory_space<vmem>>, vector<1x16xf32>,
        %get3A_707 = vector.shape_cast %get3A_706 : vector<1x16xf32> to vector<16xf32>
        %swap3A_708 = arith.constant 0 : i32
        %swap3A_709 = arith.constant 0 : i32
        %swap3A_710 = tpu.memref_slice %arg8[%scan3A_7, %swap3A_708, %swap3A_709] : memref<8x100x64xf32, #tpu.memory_space<vmem>> -> memref<1x100x64xf32, #tpu.memory_space<vmem>>
        %swap3A_711 = tpu.memref_squeeze %swap3A_710 : memref<1x100x64xf32, #tpu.memory_space<vmem>> -> memref<100x64xf32, #tpu.memory_space<vmem>>
        %swap3A_712 = arith.index_cast %add3A_673 : i32 to index
        %swap3A_713 = arith.constant 32 : index
        %swap3A_714 = tpu.vector_load %swap3A_711[%swap3A_712, %swap3A_713] {strides = array<i32>} : memref<100x64xf32, #tpu.memory_space<vmem>>, vector<1x16xf32>,
        %swap3A_715 = vector.shape_cast %swap3A_714 : vector<1x16xf32> to vector<16xf32>
        %swap3A_716 = vector.shape_cast %get3A_707 : vector<16xf32> to vector<1x16xf32>
        tpu.vector_store %swap3A_711[%swap3A_712, %swap3A_713], %swap3A_716 {add = true, strides = array<i32>} : memref<100x64xf32, #tpu.memory_space<vmem>>, vector<1x16xf32>,
        %add3A_717 = arith.constant 100 : i32
        %add3A_718 = arith.addi %add3A_717, %add3A_673 : i32
        %get3A_719 = arith.index_cast %add3A_718 : i32 to index
        %get3A_720 = arith.constant 48 : index
        %get3A_721 = tpu.vector_load %arg7[%get3A_719, %get3A_720] {strides = array<i32>} : memref<200x64xf32, #tpu.memory_space<vmem>>, vector<1x16xf32>,
        %get3A_722 = vector.shape_cast %get3A_721 : vector<1x16xf32> to vector<16xf32>
        %swap3A_723 = arith.constant 0 : i32
        %swap3A_724 = arith.constant 0 : i32
        %swap3A_725 = tpu.memref_slice %arg8[%scan3A_7, %swap3A_723, %swap3A_724] : memref<8x100x64xf32, #tpu.memory_space<vmem>> -> memref<1x100x64xf32, #tpu.memory_space<vmem>>
        %swap3A_726 = tpu.memref_squeeze %swap3A_725 : memref<1x100x64xf32, #tpu.memory_space<vmem>> -> memref<100x64xf32, #tpu.memory_space<vmem>>
        %swap3A_727 = arith.index_cast %add3A_673 : i32 to index
        %swap3A_728 = arith.constant 48 : index
        %swap3A_729 = tpu.vector_load %swap3A_726[%swap3A_727, %swap3A_728] {strides = array<i32>} : memref<100x64xf32, #tpu.memory_space<vmem>>, vector<1x16xf32>,
        %swap3A_730 = vector.shape_cast %swap3A_729 : vector<1x16xf32> to vector<16xf32>
        %swap3A_731 = vector.shape_cast %get3A_722 : vector<16xf32> to vector<1x16xf32>
        tpu.vector_store %swap3A_726[%swap3A_727, %swap3A_728], %swap3A_731 {add = true, strides = array<i32>} : memref<100x64xf32, #tpu.memory_space<vmem>>, vector<1x16xf32>,
      }
      %scan3A_565 = arith.constant 100 : i32
      %mul3A_566 = arith.constant 256 : i32
      %mul3A_567 = arith.muli %add3A, %mul3A_566 : i32
      %add3A_568 = arith.addi %mul3A_567, %add3A_550 : i32
      %div3A_569 = arith.constant 2 : i32
      %div3A_570 = arith.divsi %add3A_568, %div3A_569 : i32
      %rem3A_571 = arith.constant 2 : i32
      %rem3A_572 = arith.remsi %add3A_568, %rem3A_571 : i32
      %mul3A_573 = arith.constant 100 : i32
      %mul3A_574 = arith.muli %rem3A_572, %mul3A_573 : i32
      %dma_start3A_575 = arith.constant 0 : i32
      %dma_start3A_576 = arith.constant 0 : i32
      %dma_start3A_577 = tpu.memref_slice %arg8[%scan3A_7, %dma_start3A_575, %dma_start3A_576] : memref<8x100x64xf32, #tpu.memory_space<vmem>> -> memref<1x100x64xf32, #tpu.memory_space<vmem>>
      %dma_start3A_578 = tpu.memref_squeeze %dma_start3A_577 : memref<1x100x64xf32, #tpu.memory_space<vmem>> -> memref<100x64xf32, #tpu.memory_space<vmem>>
      %dma_start3A_579 = arith.constant 0 : i32
      %dma_start3A_580 = tpu.memref_slice %arg5[%div3A_570, %mul3A_574, %dma_start3A_579] : memref<4096x200x64xf32, #tpu.memory_space<hbm>> -> memref<1x100x64xf32, #tpu.memory_space<hbm>>
      %dma_start3A_581 = tpu.memref_squeeze %dma_start3A_580 : memref<1x100x64xf32, #tpu.memory_space<hbm>> -> memref<100x64xf32, #tpu.memory_space<hbm>>
      %dma_start3A_582 = arith.constant 0 : i32
      %dma_start3A_583 = tpu.memref_slice %arg5[%div3A_570, %mul3A_574, %dma_start3A_582] : memref<4096x200x64xf32, #tpu.memory_space<hbm>> -> memref<1x100x64xf32, #tpu.memory_space<hbm>>
      %dma_start3A_584 = tpu.memref_squeeze %dma_start3A_583 : memref<1x100x64xf32, #tpu.memory_space<hbm>> -> memref<100x64xf32, #tpu.memory_space<hbm>>
      %dma_start3A_585 = arith.constant 0 : i32
      %dma_start3A_586 = arith.constant 0 : i32
      %dma_start3A_587 = tpu.memref_slice %arg8[%scan3A_7, %dma_start3A_585, %dma_start3A_586] : memref<8x100x64xf32, #tpu.memory_space<vmem>> -> memref<1x100x64xf32, #tpu.memory_space<vmem>>
      %dma_start3A_588 = tpu.memref_squeeze %dma_start3A_587 : memref<1x100x64xf32, #tpu.memory_space<vmem>> -> memref<100x64xf32, #tpu.memory_space<vmem>>
      tpu.enqueue_dma source(%dma_start3A_588 : memref<100x64xf32, #tpu.memory_space<vmem>>) target(%dma_start3A_584 : memref<100x64xf32, #tpu.memory_space<hbm>>) target_semaphore(%arg22 : memref<!tpu.dma_semaphore, #tpu.memory_space<semaphore_mem>>)
      %add3A_589 = arith.constant 6 : i32
      %add3A_590 = arith.addi %add3A_216, %add3A_589 : i32
      %dma_wait3A_591 = arith.constant 0 : i32
      %dma_wait3A_592 = arith.constant 0 : i32
      %dma_wait3A_593 = tpu.memref_slice %arg8[%scan3A_8, %dma_wait3A_591, %dma_wait3A_592] : memref<8x100x64xf32, #tpu.memory_space<vmem>> -> memref<1x100x64xf32, #tpu.memory_space<vmem>>
      %dma_wait3A_594 = tpu.memref_squeeze %dma_wait3A_593 : memref<1x100x64xf32, #tpu.memory_space<vmem>> -> memref<100x64xf32, #tpu.memory_space<vmem>>
      %dma_wait3A_595 = arith.constant 0 : i32
      %dma_wait3A_596 = tpu.memref_slice %arg6[%add3A_326, %dma_wait3A_595] : memref<256x100xi32, #tpu.memory_space<vmem>> -> memref<1x100xi32, #tpu.memory_space<vmem>>
      %dma_wait3A_597 = tpu.memref_squeeze %dma_wait3A_596 : memref<1x100xi32, #tpu.memory_space<vmem>> -> memref<100xi32, #tpu.memory_space<vmem>>
      %dma_wait3A_598 = arith.constant 0 : i32
      %dma_wait3A_599 = arith.constant 0 : i32
      %dma_wait3A_600 = tpu.memref_slice %arg3[%dma_wait3A_598, %dma_wait3A_599] : memref<1000000x64xf32, #tpu.memory_space<hbm>> -> memref<1000000x64xf32, #tpu.memory_space<hbm>>
      tpu.wait_indirect_dma semaphore(%arg15 : memref<!tpu.dma_semaphore, #tpu.memory_space<semaphore_mem>>) src(%dma_wait3A_600 : memref<1000000x64xf32, #tpu.memory_space<hbm>>) dst(%dma_wait3A_594 : memref<100x64xf32, #tpu.memory_space<vmem>>)
      %scan3A_601 = arith.constant 0 : i32
      %scan3A_602 = arith.constant 100 : i32
      %scan3A_603 = arith.addi %scan3A_601, %scan3A_602 : i32
      %scan3A_604 = arith.constant 1 : i32
      scf.for %scan3A_669 = %scan3A_601 to %scan3A_603 step %scan3A_604  : i32 {
        %mul3A_670 = arith.constant 1 : i32
        %mul3A_671 = arith.muli %scan3A_669, %mul3A_670 : i32
        %add3A_672 = arith.constant 0 : i32
        %add3A_673 = arith.addi %add3A_672, %mul3A_671 : i32
        %add3A_674 = arith.constant 0 : i32
        %add3A_675 = arith.addi %add3A_674, %add3A_673 : i32
        %get3A = arith.index_cast %add3A_675 : i32 to index
        %get3A_676 = arith.constant 0 : index
        %get3A_677 = tpu.vector_load %arg7[%get3A, %get3A_676] {strides = array<i32>} : memref<200x64xf32, #tpu.memory_space<vmem>>, vector<1x16xf32>,
        %get3A_678 = vector.shape_cast %get3A_677 : vector<1x16xf32> to vector<16xf32>
        %swap3A = arith.constant 0 : i32
        %swap3A_679 = arith.constant 0 : i32
        %swap3A_680 = tpu.memref_slice %arg8[%scan3A_8, %swap3A, %swap3A_679] : memref<8x100x64xf32, #tpu.memory_space<vmem>> -> memref<1x100x64xf32, #tpu.memory_space<vmem>>
        %swap3A_681 = tpu.memref_squeeze %swap3A_680 : memref<1x100x64xf32, #tpu.memory_space<vmem>> -> memref<100x64xf32, #tpu.memory_space<vmem>>
        %swap3A_682 = arith.index_cast %add3A_673 : i32 to index
        %swap3A_683 = arith.constant 0 : index
        %swap3A_684 = tpu.vector_load %swap3A_681[%swap3A_682, %swap3A_683] {strides = array<i32>} : memref<100x64xf32, #tpu.memory_space<vmem>>, vector<1x16xf32>,
        %swap3A_685 = vector.shape_cast %swap3A_684 : vector<1x16xf32> to vector<16xf32>
        %swap3A_686 = vector.shape_cast %get3A_678 : vector<16xf32> to vector<1x16xf32>
        tpu.vector_store %swap3A_681[%swap3A_682, %swap3A_683], %swap3A_686 {add = true, strides = array<i32>} : memref<100x64xf32, #tpu.memory_space<vmem>>, vector<1x16xf32>,
        %add3A_687 = arith.constant 0 : i32
        %add3A_688 = arith.addi %add3A_687, %add3A_673 : i32
        %get3A_689 = arith.index_cast %add3A_688 : i32 to index
        %get3A_690 = arith.constant 16 : index
        %get3A_691 = tpu.vector_load %arg7[%get3A_689, %get3A_690] {strides = array<i32>} : memref<200x64xf32, #tpu.memory_space<vmem>>, vector<1x16xf32>,
        %get3A_692 = vector.shape_cast %get3A_691 : vector<1x16xf32> to vector<16xf32>
        %swap3A_693 = arith.constant 0 : i32
        %swap3A_694 = arith.constant 0 : i32
        %swap3A_695 = tpu.memref_slice %arg8[%scan3A_8, %swap3A_693, %swap3A_694] : memref<8x100x64xf32, #tpu.memory_space<vmem>> -> memref<1x100x64xf32, #tpu.memory_space<vmem>>
        %swap3A_696 = tpu.memref_squeeze %swap3A_695 : memref<1x100x64xf32, #tpu.memory_space<vmem>> -> memref<100x64xf32, #tpu.memory_space<vmem>>
        %swap3A_697 = arith.index_cast %add3A_673 : i32 to index
        %swap3A_698 = arith.constant 16 : index
        %swap3A_699 = tpu.vector_load %swap3A_696[%swap3A_697, %swap3A_698] {strides = array<i32>} : memref<100x64xf32, #tpu.memory_space<vmem>>, vector<1x16xf32>,
        %swap3A_700 = vector.shape_cast %swap3A_699 : vector<1x16xf32> to vector<16xf32>
        %swap3A_701 = vector.shape_cast %get3A_692 : vector<16xf32> to vector<1x16xf32>
        tpu.vector_store %swap3A_696[%swap3A_697, %swap3A_698], %swap3A_701 {add = true, strides = array<i32>} : memref<100x64xf32, #tpu.memory_space<vmem>>, vector<1x16xf32>,
        %add3A_702 = arith.constant 0 : i32
        %add3A_703 = arith.addi %add3A_702, %add3A_673 : i32
        %get3A_704 = arith.index_cast %add3A_703 : i32 to index
        %get3A_705 = arith.constant 32 : index
        %get3A_706 = tpu.vector_load %arg7[%get3A_704, %get3A_705] {strides = array<i32>} : memref<200x64xf32, #tpu.memory_space<vmem>>, vector<1x16xf32>,
        %get3A_707 = vector.shape_cast %get3A_706 : vector<1x16xf32> to vector<16xf32>
        %swap3A_708 = arith.constant 0 : i32
        %swap3A_709 = arith.constant 0 : i32
        %swap3A_710 = tpu.memref_slice %arg8[%scan3A_8, %swap3A_708, %swap3A_709] : memref<8x100x64xf32, #tpu.memory_space<vmem>> -> memref<1x100x64xf32, #tpu.memory_space<vmem>>
        %swap3A_711 = tpu.memref_squeeze %swap3A_710 : memref<1x100x64xf32, #tpu.memory_space<vmem>> -> memref<100x64xf32, #tpu.memory_space<vmem>>
        %swap3A_712 = arith.index_cast %add3A_673 : i32 to index
        %swap3A_713 = arith.constant 32 : index
        %swap3A_714 = tpu.vector_load %swap3A_711[%swap3A_712, %swap3A_713] {strides = array<i32>} : memref<100x64xf32, #tpu.memory_space<vmem>>, vector<1x16xf32>,
        %swap3A_715 = vector.shape_cast %swap3A_714 : vector<1x16xf32> to vector<16xf32>
        %swap3A_716 = vector.shape_cast %get3A_707 : vector<16xf32> to vector<1x16xf32>
        tpu.vector_store %swap3A_711[%swap3A_712, %swap3A_713], %swap3A_716 {add = true, strides = array<i32>} : memref<100x64xf32, #tpu.memory_space<vmem>>, vector<1x16xf32>,
        %add3A_717 = arith.constant 0 : i32
        %add3A_718 = arith.addi %add3A_717, %add3A_673 : i32
        %get3A_719 = arith.index_cast %add3A_718 : i32 to index
        %get3A_720 = arith.constant 48 : index
        %get3A_721 = tpu.vector_load %arg7[%get3A_719, %get3A_720] {strides = array<i32>} : memref<200x64xf32, #tpu.memory_space<vmem>>, vector<1x16xf32>,
        %get3A_722 = vector.shape_cast %get3A_721 : vector<1x16xf32> to vector<16xf32>
        %swap3A_723 = arith.constant 0 : i32
        %swap3A_724 = arith.constant 0 : i32
        %swap3A_725 = tpu.memref_slice %arg8[%scan3A_8, %swap3A_723, %swap3A_724] : memref<8x100x64xf32, #tpu.memory_space<vmem>> -> memref<1x100x64xf32, #tpu.memory_space<vmem>>
        %swap3A_726 = tpu.memref_squeeze %swap3A_725 : memref<1x100x64xf32, #tpu.memory_space<vmem>> -> memref<100x64xf32, #tpu.memory_space<vmem>>
        %swap3A_727 = arith.index_cast %add3A_673 : i32 to index
        %swap3A_728 = arith.constant 48 : index
        %swap3A_729 = tpu.vector_load %swap3A_726[%swap3A_727, %swap3A_728] {strides = array<i32>} : memref<100x64xf32, #tpu.memory_space<vmem>>, vector<1x16xf32>,
        %swap3A_730 = vector.shape_cast %swap3A_729 : vector<1x16xf32> to vector<16xf32>
        %swap3A_731 = vector.shape_cast %get3A_722 : vector<16xf32> to vector<1x16xf32>
        tpu.vector_store %swap3A_726[%swap3A_727, %swap3A_728], %swap3A_731 {add = true, strides = array<i32>} : memref<100x64xf32, #tpu.memory_space<vmem>>, vector<1x16xf32>,
      }
      %scan3A_605 = arith.constant 100 : i32
      %mul3A_606 = arith.constant 256 : i32
      %mul3A_607 = arith.muli %add3A, %mul3A_606 : i32
      %add3A_608 = arith.addi %mul3A_607, %add3A_590 : i32
      %div3A_609 = arith.constant 2 : i32
      %div3A_610 = arith.divsi %add3A_608, %div3A_609 : i32
      %rem3A_611 = arith.constant 2 : i32
      %rem3A_612 = arith.remsi %add3A_608, %rem3A_611 : i32
      %mul3A_613 = arith.constant 100 : i32
      %mul3A_614 = arith.muli %rem3A_612, %mul3A_613 : i32
      %dma_start3A_615 = arith.constant 0 : i32
      %dma_start3A_616 = arith.constant 0 : i32
      %dma_start3A_617 = tpu.memref_slice %arg8[%scan3A_8, %dma_start3A_615, %dma_start3A_616] : memref<8x100x64xf32, #tpu.memory_space<vmem>> -> memref<1x100x64xf32, #tpu.memory_space<vmem>>
      %dma_start3A_618 = tpu.memref_squeeze %dma_start3A_617 : memref<1x100x64xf32, #tpu.memory_space<vmem>> -> memref<100x64xf32, #tpu.memory_space<vmem>>
      %dma_start3A_619 = arith.constant 0 : i32
      %dma_start3A_620 = tpu.memref_slice %arg5[%div3A_610, %mul3A_614, %dma_start3A_619] : memref<4096x200x64xf32, #tpu.memory_space<hbm>> -> memref<1x100x64xf32, #tpu.memory_space<hbm>>
      %dma_start3A_621 = tpu.memref_squeeze %dma_start3A_620 : memref<1x100x64xf32, #tpu.memory_space<hbm>> -> memref<100x64xf32, #tpu.memory_space<hbm>>
      %dma_start3A_622 = arith.constant 0 : i32
      %dma_start3A_623 = tpu.memref_slice %arg5[%div3A_610, %mul3A_614, %dma_start3A_622] : memref<4096x200x64xf32, #tpu.memory_space<hbm>> -> memref<1x100x64xf32, #tpu.memory_space<hbm>>
      %dma_start3A_624 = tpu.memref_squeeze %dma_start3A_623 : memref<1x100x64xf32, #tpu.memory_space<hbm>> -> memref<100x64xf32, #tpu.memory_space<hbm>>
      %dma_start3A_625 = arith.constant 0 : i32
      %dma_start3A_626 = arith.constant 0 : i32
      %dma_start3A_627 = tpu.memref_slice %arg8[%scan3A_8, %dma_start3A_625, %dma_start3A_626] : memref<8x100x64xf32, #tpu.memory_space<vmem>> -> memref<1x100x64xf32, #tpu.memory_space<vmem>>
      %dma_start3A_628 = tpu.memref_squeeze %dma_start3A_627 : memref<1x100x64xf32, #tpu.memory_space<vmem>> -> memref<100x64xf32, #tpu.memory_space<vmem>>
      tpu.enqueue_dma source(%dma_start3A_628 : memref<100x64xf32, #tpu.memory_space<vmem>>) target(%dma_start3A_624 : memref<100x64xf32, #tpu.memory_space<hbm>>) target_semaphore(%arg23 : memref<!tpu.dma_semaphore, #tpu.memory_space<semaphore_mem>>)
      %add3A_629 = arith.constant 7 : i32
      %add3A_630 = arith.addi %add3A_216, %add3A_629 : i32
      %dma_wait3A_631 = arith.constant 0 : i32
      %dma_wait3A_632 = arith.constant 0 : i32
      %dma_wait3A_633 = tpu.memref_slice %arg8[%scan3A_9, %dma_wait3A_631, %dma_wait3A_632] : memref<8x100x64xf32, #tpu.memory_space<vmem>> -> memref<1x100x64xf32, #tpu.memory_space<vmem>>
      %dma_wait3A_634 = tpu.memref_squeeze %dma_wait3A_633 : memref<1x100x64xf32, #tpu.memory_space<vmem>> -> memref<100x64xf32, #tpu.memory_space<vmem>>
      %dma_wait3A_635 = arith.constant 0 : i32
      %dma_wait3A_636 = tpu.memref_slice %arg6[%add3A_338, %dma_wait3A_635] : memref<256x100xi32, #tpu.memory_space<vmem>> -> memref<1x100xi32, #tpu.memory_space<vmem>>
      %dma_wait3A_637 = tpu.memref_squeeze %dma_wait3A_636 : memref<1x100xi32, #tpu.memory_space<vmem>> -> memref<100xi32, #tpu.memory_space<vmem>>
      %dma_wait3A_638 = arith.constant 0 : i32
      %dma_wait3A_639 = arith.constant 0 : i32
      %dma_wait3A_640 = tpu.memref_slice %arg3[%dma_wait3A_638, %dma_wait3A_639] : memref<1000000x64xf32, #tpu.memory_space<hbm>> -> memref<1000000x64xf32, #tpu.memory_space<hbm>>
      tpu.wait_indirect_dma semaphore(%arg16 : memref<!tpu.dma_semaphore, #tpu.memory_space<semaphore_mem>>) src(%dma_wait3A_640 : memref<1000000x64xf32, #tpu.memory_space<hbm>>) dst(%dma_wait3A_634 : memref<100x64xf32, #tpu.memory_space<vmem>>)
      %scan3A_641 = arith.constant 0 : i32
      %scan3A_642 = arith.constant 100 : i32
      %scan3A_643 = arith.addi %scan3A_641, %scan3A_642 : i32
      %scan3A_644 = arith.constant 1 : i32
      scf.for %scan3A_669 = %scan3A_641 to %scan3A_643 step %scan3A_644  : i32 {
        %mul3A_670 = arith.constant 1 : i32
        %mul3A_671 = arith.muli %scan3A_669, %mul3A_670 : i32
        %add3A_672 = arith.constant 0 : i32
        %add3A_673 = arith.addi %add3A_672, %mul3A_671 : i32
        %add3A_674 = arith.constant 100 : i32
        %add3A_675 = arith.addi %add3A_674, %add3A_673 : i32
        %get3A = arith.index_cast %add3A_675 : i32 to index
        %get3A_676 = arith.constant 0 : index
        %get3A_677 = tpu.vector_load %arg7[%get3A, %get3A_676] {strides = array<i32>} : memref<200x64xf32, #tpu.memory_space<vmem>>, vector<1x16xf32>,
        %get3A_678 = vector.shape_cast %get3A_677 : vector<1x16xf32> to vector<16xf32>
        %swap3A = arith.constant 0 : i32
        %swap3A_679 = arith.constant 0 : i32
        %swap3A_680 = tpu.memref_slice %arg8[%scan3A_9, %swap3A, %swap3A_679] : memref<8x100x64xf32, #tpu.memory_space<vmem>> -> memref<1x100x64xf32, #tpu.memory_space<vmem>>
        %swap3A_681 = tpu.memref_squeeze %swap3A_680 : memref<1x100x64xf32, #tpu.memory_space<vmem>> -> memref<100x64xf32, #tpu.memory_space<vmem>>
        %swap3A_682 = arith.index_cast %add3A_673 : i32 to index
        %swap3A_683 = arith.constant 0 : index
        %swap3A_684 = tpu.vector_load %swap3A_681[%swap3A_682, %swap3A_683] {strides = array<i32>} : memref<100x64xf32, #tpu.memory_space<vmem>>, vector<1x16xf32>,
        %swap3A_685 = vector.shape_cast %swap3A_684 : vector<1x16xf32> to vector<16xf32>
        %swap3A_686 = vector.shape_cast %get3A_678 : vector<16xf32> to vector<1x16xf32>
        tpu.vector_store %swap3A_681[%swap3A_682, %swap3A_683], %swap3A_686 {add = true, strides = array<i32>} : memref<100x64xf32, #tpu.memory_space<vmem>>, vector<1x16xf32>,
        %add3A_687 = arith.constant 100 : i32
        %add3A_688 = arith.addi %add3A_687, %add3A_673 : i32
        %get3A_689 = arith.index_cast %add3A_688 : i32 to index
        %get3A_690 = arith.constant 16 : index
        %get3A_691 = tpu.vector_load %arg7[%get3A_689, %get3A_690] {strides = array<i32>} : memref<200x64xf32, #tpu.memory_space<vmem>>, vector<1x16xf32>,
        %get3A_692 = vector.shape_cast %get3A_691 : vector<1x16xf32> to vector<16xf32>
        %swap3A_693 = arith.constant 0 : i32
        %swap3A_694 = arith.constant 0 : i32
        %swap3A_695 = tpu.memref_slice %arg8[%scan3A_9, %swap3A_693, %swap3A_694] : memref<8x100x64xf32, #tpu.memory_space<vmem>> -> memref<1x100x64xf32, #tpu.memory_space<vmem>>
        %swap3A_696 = tpu.memref_squeeze %swap3A_695 : memref<1x100x64xf32, #tpu.memory_space<vmem>> -> memref<100x64xf32, #tpu.memory_space<vmem>>
        %swap3A_697 = arith.index_cast %add3A_673 : i32 to index
        %swap3A_698 = arith.constant 16 : index
        %swap3A_699 = tpu.vector_load %swap3A_696[%swap3A_697, %swap3A_698] {strides = array<i32>} : memref<100x64xf32, #tpu.memory_space<vmem>>, vector<1x16xf32>,
        %swap3A_700 = vector.shape_cast %swap3A_699 : vector<1x16xf32> to vector<16xf32>
        %swap3A_701 = vector.shape_cast %get3A_692 : vector<16xf32> to vector<1x16xf32>
        tpu.vector_store %swap3A_696[%swap3A_697, %swap3A_698], %swap3A_701 {add = true, strides = array<i32>} : memref<100x64xf32, #tpu.memory_space<vmem>>, vector<1x16xf32>,
        %add3A_702 = arith.constant 100 : i32
        %add3A_703 = arith.addi %add3A_702, %add3A_673 : i32
        %get3A_704 = arith.index_cast %add3A_703 : i32 to index
        %get3A_705 = arith.constant 32 : index
        %get3A_706 = tpu.vector_load %arg7[%get3A_704, %get3A_705] {strides = array<i32>} : memref<200x64xf32, #tpu.memory_space<vmem>>, vector<1x16xf32>,
        %get3A_707 = vector.shape_cast %get3A_706 : vector<1x16xf32> to vector<16xf32>
        %swap3A_708 = arith.constant 0 : i32
        %swap3A_709 = arith.constant 0 : i32
        %swap3A_710 = tpu.memref_slice %arg8[%scan3A_9, %swap3A_708, %swap3A_709] : memref<8x100x64xf32, #tpu.memory_space<vmem>> -> memref<1x100x64xf32, #tpu.memory_space<vmem>>
        %swap3A_711 = tpu.memref_squeeze %swap3A_710 : memref<1x100x64xf32, #tpu.memory_space<vmem>> -> memref<100x64xf32, #tpu.memory_space<vmem>>
        %swap3A_712 = arith.index_cast %add3A_673 : i32 to index
        %swap3A_713 = arith.constant 32 : index
        %swap3A_714 = tpu.vector_load %swap3A_711[%swap3A_712, %swap3A_713] {strides = array<i32>} : memref<100x64xf32, #tpu.memory_space<vmem>>, vector<1x16xf32>,
        %swap3A_715 = vector.shape_cast %swap3A_714 : vector<1x16xf32> to vector<16xf32>
        %swap3A_716 = vector.shape_cast %get3A_707 : vector<16xf32> to vector<1x16xf32>
        tpu.vector_store %swap3A_711[%swap3A_712, %swap3A_713], %swap3A_716 {add = true, strides = array<i32>} : memref<100x64xf32, #tpu.memory_space<vmem>>, vector<1x16xf32>,
        %add3A_717 = arith.constant 100 : i32
        %add3A_718 = arith.addi %add3A_717, %add3A_673 : i32
        %get3A_719 = arith.index_cast %add3A_718 : i32 to index
        %get3A_720 = arith.constant 48 : index
        %get3A_721 = tpu.vector_load %arg7[%get3A_719, %get3A_720] {strides = array<i32>} : memref<200x64xf32, #tpu.memory_space<vmem>>, vector<1x16xf32>,
        %get3A_722 = vector.shape_cast %get3A_721 : vector<1x16xf32> to vector<16xf32>
        %swap3A_723 = arith.constant 0 : i32
        %swap3A_724 = arith.constant 0 : i32
        %swap3A_725 = tpu.memref_slice %arg8[%scan3A_9, %swap3A_723, %swap3A_724] : memref<8x100x64xf32, #tpu.memory_space<vmem>> -> memref<1x100x64xf32, #tpu.memory_space<vmem>>
        %swap3A_726 = tpu.memref_squeeze %swap3A_725 : memref<1x100x64xf32, #tpu.memory_space<vmem>> -> memref<100x64xf32, #tpu.memory_space<vmem>>
        %swap3A_727 = arith.index_cast %add3A_673 : i32 to index
        %swap3A_728 = arith.constant 48 : index
        %swap3A_729 = tpu.vector_load %swap3A_726[%swap3A_727, %swap3A_728] {strides = array<i32>} : memref<100x64xf32, #tpu.memory_space<vmem>>, vector<1x16xf32>,
        %swap3A_730 = vector.shape_cast %swap3A_729 : vector<1x16xf32> to vector<16xf32>
        %swap3A_731 = vector.shape_cast %get3A_722 : vector<16xf32> to vector<1x16xf32>
        tpu.vector_store %swap3A_726[%swap3A_727, %swap3A_728], %swap3A_731 {add = true, strides = array<i32>} : memref<100x64xf32, #tpu.memory_space<vmem>>, vector<1x16xf32>,
      }
      %scan3A_645 = arith.constant 100 : i32
      %mul3A_646 = arith.constant 256 : i32
      %mul3A_647 = arith.muli %add3A, %mul3A_646 : i32
      %add3A_648 = arith.addi %mul3A_647, %add3A_630 : i32
      %div3A_649 = arith.constant 2 : i32
      %div3A_650 = arith.divsi %add3A_648, %div3A_649 : i32
      %rem3A_651 = arith.constant 2 : i32
      %rem3A_652 = arith.remsi %add3A_648, %rem3A_651 : i32
      %mul3A_653 = arith.constant 100 : i32
      %mul3A_654 = arith.muli %rem3A_652, %mul3A_653 : i32
      %dma_start3A_655 = arith.constant 0 : i32
      %dma_start3A_656 = arith.constant 0 : i32
      %dma_start3A_657 = tpu.memref_slice %arg8[%scan3A_9, %dma_start3A_655, %dma_start3A_656] : memref<8x100x64xf32, #tpu.memory_space<vmem>> -> memref<1x100x64xf32, #tpu.memory_space<vmem>>
      %dma_start3A_658 = tpu.memref_squeeze %dma_start3A_657 : memref<1x100x64xf32, #tpu.memory_space<vmem>> -> memref<100x64xf32, #tpu.memory_space<vmem>>
      %dma_start3A_659 = arith.constant 0 : i32
      %dma_start3A_660 = tpu.memref_slice %arg5[%div3A_650, %mul3A_654, %dma_start3A_659] : memref<4096x200x64xf32, #tpu.memory_space<hbm>> -> memref<1x100x64xf32, #tpu.memory_space<hbm>>
      %dma_start3A_661 = tpu.memref_squeeze %dma_start3A_660 : memref<1x100x64xf32, #tpu.memory_space<hbm>> -> memref<100x64xf32, #tpu.memory_space<hbm>>
      %dma_start3A_662 = arith.constant 0 : i32
      %dma_start3A_663 = tpu.memref_slice %arg5[%div3A_650, %mul3A_654, %dma_start3A_662] : memref<4096x200x64xf32, #tpu.memory_space<hbm>> -> memref<1x100x64xf32, #tpu.memory_space<hbm>>
      %dma_start3A_664 = tpu.memref_squeeze %dma_start3A_663 : memref<1x100x64xf32, #tpu.memory_space<hbm>> -> memref<100x64xf32, #tpu.memory_space<hbm>>
      %dma_start3A_665 = arith.constant 0 : i32
      %dma_start3A_666 = arith.constant 0 : i32
      %dma_start3A_667 = tpu.memref_slice %arg8[%scan3A_9, %dma_start3A_665, %dma_start3A_666] : memref<8x100x64xf32, #tpu.memory_space<vmem>> -> memref<1x100x64xf32, #tpu.memory_space<vmem>>
      %dma_start3A_668 = tpu.memref_squeeze %dma_start3A_667 : memref<1x100x64xf32, #tpu.memory_space<vmem>> -> memref<100x64xf32, #tpu.memory_space<vmem>>
      tpu.enqueue_dma source(%dma_start3A_668 : memref<100x64xf32, #tpu.memory_space<vmem>>) target(%dma_start3A_664 : memref<100x64xf32, #tpu.memory_space<hbm>>) target_semaphore(%arg24 : memref<!tpu.dma_semaphore, #tpu.memory_space<semaphore_mem>>)
    }
    %scan3A_14 = arith.constant 32 : i32
    %mul3A_15 = arith.constant 256 : i32
    %mul3A_16 = arith.muli %add3A, %mul3A_15 : i32
    %add3A_17 = arith.constant 248 : i32
    %add3A_18 = arith.addi %mul3A_16, %add3A_17 : i32
    %div3A = arith.constant 2 : i32
    %div3A_19 = arith.divsi %add3A_18, %div3A : i32
    %rem3A = arith.constant 2 : i32
    %rem3A_20 = arith.remsi %add3A_18, %rem3A : i32
    %mul3A_21 = arith.constant 100 : i32
    %mul3A_22 = arith.muli %rem3A_20, %mul3A_21 : i32
    %dma_wait3A = arith.constant 0 : i32
    %dma_wait3A_23 = arith.constant 0 : i32
    %dma_wait3A_24 = arith.constant 0 : i32
    %dma_wait3A_25 = tpu.memref_slice %arg8[%dma_wait3A, %dma_wait3A_23, %dma_wait3A_24] : memref<8x100x64xf32, #tpu.memory_space<vmem>> -> memref<1x100x64xf32, #tpu.memory_space<vmem>>
    %dma_wait3A_26 = tpu.memref_squeeze %dma_wait3A_25 : memref<1x100x64xf32, #tpu.memory_space<vmem>> -> memref<100x64xf32, #tpu.memory_space<vmem>>
    %dma_wait3A_27 = arith.constant 0 : i32
    %dma_wait3A_28 = tpu.memref_slice %arg5[%div3A_19, %mul3A_22, %dma_wait3A_27] : memref<4096x200x64xf32, #tpu.memory_space<hbm>> -> memref<1x100x64xf32, #tpu.memory_space<hbm>>
    %dma_wait3A_29 = tpu.memref_squeeze %dma_wait3A_28 : memref<1x100x64xf32, #tpu.memory_space<hbm>> -> memref<100x64xf32, #tpu.memory_space<hbm>>
    %dma_wait3A_30 = arith.constant 0 : i32
    %dma_wait3A_31 = tpu.memref_slice %arg5[%div3A_19, %mul3A_22, %dma_wait3A_30] : memref<4096x200x64xf32, #tpu.memory_space<hbm>> -> memref<1x100x64xf32, #tpu.memory_space<hbm>>
    %dma_wait3A_32 = tpu.memref_squeeze %dma_wait3A_31 : memref<1x100x64xf32, #tpu.memory_space<hbm>> -> memref<100x64xf32, #tpu.memory_space<hbm>>
    %dma_wait3A_33 = arith.constant 0 : i32
    %dma_wait3A_34 = arith.constant 0 : i32
    %dma_wait3A_35 = tpu.memref_slice %arg8[%dma_wait3A, %dma_wait3A_33, %dma_wait3A_34] : memref<8x100x64xf32, #tpu.memory_space<vmem>> -> memref<1x100x64xf32, #tpu.memory_space<vmem>>
    %dma_wait3A_36 = tpu.memref_squeeze %dma_wait3A_35 : memref<1x100x64xf32, #tpu.memory_space<vmem>> -> memref<100x64xf32, #tpu.memory_space<vmem>>
    tpu.wait_dma2 semaphore(%arg17 : memref<!tpu.dma_semaphore, #tpu.memory_space<semaphore_mem>>) src(%dma_wait3A_36 : memref<100x64xf32, #tpu.memory_space<vmem>>) dst(%dma_wait3A_32 : memref<100x64xf32, #tpu.memory_space<hbm>>)
    %mul3A_37 = arith.constant 256 : i32
    %mul3A_38 = arith.muli %add3A, %mul3A_37 : i32
    %add3A_39 = arith.constant 249 : i32
    %add3A_40 = arith.addi %mul3A_38, %add3A_39 : i32
    %div3A_41 = arith.constant 2 : i32
    %div3A_42 = arith.divsi %add3A_40, %div3A_41 : i32
    %rem3A_43 = arith.constant 2 : i32
    %rem3A_44 = arith.remsi %add3A_40, %rem3A_43 : i32
    %mul3A_45 = arith.constant 100 : i32
    %mul3A_46 = arith.muli %rem3A_44, %mul3A_45 : i32
    %dma_wait3A_47 = arith.constant 1 : i32
    %dma_wait3A_48 = arith.constant 0 : i32
    %dma_wait3A_49 = arith.constant 0 : i32
    %dma_wait3A_50 = tpu.memref_slice %arg8[%dma_wait3A_47, %dma_wait3A_48, %dma_wait3A_49] : memref<8x100x64xf32, #tpu.memory_space<vmem>> -> memref<1x100x64xf32, #tpu.memory_space<vmem>>
    %dma_wait3A_51 = tpu.memref_squeeze %dma_wait3A_50 : memref<1x100x64xf32, #tpu.memory_space<vmem>> -> memref<100x64xf32, #tpu.memory_space<vmem>>
    %dma_wait3A_52 = arith.constant 0 : i32
    %dma_wait3A_53 = tpu.memref_slice %arg5[%div3A_42, %mul3A_46, %dma_wait3A_52] : memref<4096x200x64xf32, #tpu.memory_space<hbm>> -> memref<1x100x64xf32, #tpu.memory_space<hbm>>
    %dma_wait3A_54 = tpu.memref_squeeze %dma_wait3A_53 : memref<1x100x64xf32, #tpu.memory_space<hbm>> -> memref<100x64xf32, #tpu.memory_space<hbm>>
    %dma_wait3A_55 = arith.constant 0 : i32
    %dma_wait3A_56 = tpu.memref_slice %arg5[%div3A_42, %mul3A_46, %dma_wait3A_55] : memref<4096x200x64xf32, #tpu.memory_space<hbm>> -> memref<1x100x64xf32, #tpu.memory_space<hbm>>
    %dma_wait3A_57 = tpu.memref_squeeze %dma_wait3A_56 : memref<1x100x64xf32, #tpu.memory_space<hbm>> -> memref<100x64xf32, #tpu.memory_space<hbm>>
    %dma_wait3A_58 = arith.constant 0 : i32
    %dma_wait3A_59 = arith.constant 0 : i32
    %dma_wait3A_60 = tpu.memref_slice %arg8[%dma_wait3A_47, %dma_wait3A_58, %dma_wait3A_59] : memref<8x100x64xf32, #tpu.memory_space<vmem>> -> memref<1x100x64xf32, #tpu.memory_space<vmem>>
    %dma_wait3A_61 = tpu.memref_squeeze %dma_wait3A_60 : memref<1x100x64xf32, #tpu.memory_space<vmem>> -> memref<100x64xf32, #tpu.memory_space<vmem>>
    tpu.wait_dma2 semaphore(%arg18 : memref<!tpu.dma_semaphore, #tpu.memory_space<semaphore_mem>>) src(%dma_wait3A_61 : memref<100x64xf32, #tpu.memory_space<vmem>>) dst(%dma_wait3A_57 : memref<100x64xf32, #tpu.memory_space<hbm>>)
    %mul3A_62 = arith.constant 256 : i32
    %mul3A_63 = arith.muli %add3A, %mul3A_62 : i32
    %add3A_64 = arith.constant 250 : i32
    %add3A_65 = arith.addi %mul3A_63, %add3A_64 : i32
    %div3A_66 = arith.constant 2 : i32
    %div3A_67 = arith.divsi %add3A_65, %div3A_66 : i32
    %rem3A_68 = arith.constant 2 : i32
    %rem3A_69 = arith.remsi %add3A_65, %rem3A_68 : i32
    %mul3A_70 = arith.constant 100 : i32
    %mul3A_71 = arith.muli %rem3A_69, %mul3A_70 : i32
    %dma_wait3A_72 = arith.constant 2 : i32
    %dma_wait3A_73 = arith.constant 0 : i32
    %dma_wait3A_74 = arith.constant 0 : i32
    %dma_wait3A_75 = tpu.memref_slice %arg8[%dma_wait3A_72, %dma_wait3A_73, %dma_wait3A_74] : memref<8x100x64xf32, #tpu.memory_space<vmem>> -> memref<1x100x64xf32, #tpu.memory_space<vmem>>
    %dma_wait3A_76 = tpu.memref_squeeze %dma_wait3A_75 : memref<1x100x64xf32, #tpu.memory_space<vmem>> -> memref<100x64xf32, #tpu.memory_space<vmem>>
    %dma_wait3A_77 = arith.constant 0 : i32
    %dma_wait3A_78 = tpu.memref_slice %arg5[%div3A_67, %mul3A_71, %dma_wait3A_77] : memref<4096x200x64xf32, #tpu.memory_space<hbm>> -> memref<1x100x64xf32, #tpu.memory_space<hbm>>
    %dma_wait3A_79 = tpu.memref_squeeze %dma_wait3A_78 : memref<1x100x64xf32, #tpu.memory_space<hbm>> -> memref<100x64xf32, #tpu.memory_space<hbm>>
    %dma_wait3A_80 = arith.constant 0 : i32
    %dma_wait3A_81 = tpu.memref_slice %arg5[%div3A_67, %mul3A_71, %dma_wait3A_80] : memref<4096x200x64xf32, #tpu.memory_space<hbm>> -> memref<1x100x64xf32, #tpu.memory_space<hbm>>
    %dma_wait3A_82 = tpu.memref_squeeze %dma_wait3A_81 : memref<1x100x64xf32, #tpu.memory_space<hbm>> -> memref<100x64xf32, #tpu.memory_space<hbm>>
    %dma_wait3A_83 = arith.constant 0 : i32
    %dma_wait3A_84 = arith.constant 0 : i32
    %dma_wait3A_85 = tpu.memref_slice %arg8[%dma_wait3A_72, %dma_wait3A_83, %dma_wait3A_84] : memref<8x100x64xf32, #tpu.memory_space<vmem>> -> memref<1x100x64xf32, #tpu.memory_space<vmem>>
    %dma_wait3A_86 = tpu.memref_squeeze %dma_wait3A_85 : memref<1x100x64xf32, #tpu.memory_space<vmem>> -> memref<100x64xf32, #tpu.memory_space<vmem>>
    tpu.wait_dma2 semaphore(%arg19 : memref<!tpu.dma_semaphore, #tpu.memory_space<semaphore_mem>>) src(%dma_wait3A_86 : memref<100x64xf32, #tpu.memory_space<vmem>>) dst(%dma_wait3A_82 : memref<100x64xf32, #tpu.memory_space<hbm>>)
    %mul3A_87 = arith.constant 256 : i32
    %mul3A_88 = arith.muli %add3A, %mul3A_87 : i32
    %add3A_89 = arith.constant 251 : i32
    %add3A_90 = arith.addi %mul3A_88, %add3A_89 : i32
    %div3A_91 = arith.constant 2 : i32
    %div3A_92 = arith.divsi %add3A_90, %div3A_91 : i32
    %rem3A_93 = arith.constant 2 : i32
    %rem3A_94 = arith.remsi %add3A_90, %rem3A_93 : i32
    %mul3A_95 = arith.constant 100 : i32
    %mul3A_96 = arith.muli %rem3A_94, %mul3A_95 : i32
    %dma_wait3A_97 = arith.constant 3 : i32
    %dma_wait3A_98 = arith.constant 0 : i32
    %dma_wait3A_99 = arith.constant 0 : i32
    %dma_wait3A_100 = tpu.memref_slice %arg8[%dma_wait3A_97, %dma_wait3A_98, %dma_wait3A_99] : memref<8x100x64xf32, #tpu.memory_space<vmem>> -> memref<1x100x64xf32, #tpu.memory_space<vmem>>
    %dma_wait3A_101 = tpu.memref_squeeze %dma_wait3A_100 : memref<1x100x64xf32, #tpu.memory_space<vmem>> -> memref<100x64xf32, #tpu.memory_space<vmem>>
    %dma_wait3A_102 = arith.constant 0 : i32
    %dma_wait3A_103 = tpu.memref_slice %arg5[%div3A_92, %mul3A_96, %dma_wait3A_102] : memref<4096x200x64xf32, #tpu.memory_space<hbm>> -> memref<1x100x64xf32, #tpu.memory_space<hbm>>
    %dma_wait3A_104 = tpu.memref_squeeze %dma_wait3A_103 : memref<1x100x64xf32, #tpu.memory_space<hbm>> -> memref<100x64xf32, #tpu.memory_space<hbm>>
    %dma_wait3A_105 = arith.constant 0 : i32
    %dma_wait3A_106 = tpu.memref_slice %arg5[%div3A_92, %mul3A_96, %dma_wait3A_105] : memref<4096x200x64xf32, #tpu.memory_space<hbm>> -> memref<1x100x64xf32, #tpu.memory_space<hbm>>
    %dma_wait3A_107 = tpu.memref_squeeze %dma_wait3A_106 : memref<1x100x64xf32, #tpu.memory_space<hbm>> -> memref<100x64xf32, #tpu.memory_space<hbm>>
    %dma_wait3A_108 = arith.constant 0 : i32
    %dma_wait3A_109 = arith.constant 0 : i32
    %dma_wait3A_110 = tpu.memref_slice %arg8[%dma_wait3A_97, %dma_wait3A_108, %dma_wait3A_109] : memref<8x100x64xf32, #tpu.memory_space<vmem>> -> memref<1x100x64xf32, #tpu.memory_space<vmem>>
    %dma_wait3A_111 = tpu.memref_squeeze %dma_wait3A_110 : memref<1x100x64xf32, #tpu.memory_space<vmem>> -> memref<100x64xf32, #tpu.memory_space<vmem>>
    tpu.wait_dma2 semaphore(%arg20 : memref<!tpu.dma_semaphore, #tpu.memory_space<semaphore_mem>>) src(%dma_wait3A_111 : memref<100x64xf32, #tpu.memory_space<vmem>>) dst(%dma_wait3A_107 : memref<100x64xf32, #tpu.memory_space<hbm>>)
    %mul3A_112 = arith.constant 256 : i32
    %mul3A_113 = arith.muli %add3A, %mul3A_112 : i32
    %add3A_114 = arith.constant 252 : i32
    %add3A_115 = arith.addi %mul3A_113, %add3A_114 : i32
    %div3A_116 = arith.constant 2 : i32
    %div3A_117 = arith.divsi %add3A_115, %div3A_116 : i32
    %rem3A_118 = arith.constant 2 : i32
    %rem3A_119 = arith.remsi %add3A_115, %rem3A_118 : i32
    %mul3A_120 = arith.constant 100 : i32
    %mul3A_121 = arith.muli %rem3A_119, %mul3A_120 : i32
    %dma_wait3A_122 = arith.constant 4 : i32
    %dma_wait3A_123 = arith.constant 0 : i32
    %dma_wait3A_124 = arith.constant 0 : i32
    %dma_wait3A_125 = tpu.memref_slice %arg8[%dma_wait3A_122, %dma_wait3A_123, %dma_wait3A_124] : memref<8x100x64xf32, #tpu.memory_space<vmem>> -> memref<1x100x64xf32, #tpu.memory_space<vmem>>
    %dma_wait3A_126 = tpu.memref_squeeze %dma_wait3A_125 : memref<1x100x64xf32, #tpu.memory_space<vmem>> -> memref<100x64xf32, #tpu.memory_space<vmem>>
    %dma_wait3A_127 = arith.constant 0 : i32
    %dma_wait3A_128 = tpu.memref_slice %arg5[%div3A_117, %mul3A_121, %dma_wait3A_127] : memref<4096x200x64xf32, #tpu.memory_space<hbm>> -> memref<1x100x64xf32, #tpu.memory_space<hbm>>
    %dma_wait3A_129 = tpu.memref_squeeze %dma_wait3A_128 : memref<1x100x64xf32, #tpu.memory_space<hbm>> -> memref<100x64xf32, #tpu.memory_space<hbm>>
    %dma_wait3A_130 = arith.constant 0 : i32
    %dma_wait3A_131 = tpu.memref_slice %arg5[%div3A_117, %mul3A_121, %dma_wait3A_130] : memref<4096x200x64xf32, #tpu.memory_space<hbm>> -> memref<1x100x64xf32, #tpu.memory_space<hbm>>
    %dma_wait3A_132 = tpu.memref_squeeze %dma_wait3A_131 : memref<1x100x64xf32, #tpu.memory_space<hbm>> -> memref<100x64xf32, #tpu.memory_space<hbm>>
    %dma_wait3A_133 = arith.constant 0 : i32
    %dma_wait3A_134 = arith.constant 0 : i32
    %dma_wait3A_135 = tpu.memref_slice %arg8[%dma_wait3A_122, %dma_wait3A_133, %dma_wait3A_134] : memref<8x100x64xf32, #tpu.memory_space<vmem>> -> memref<1x100x64xf32, #tpu.memory_space<vmem>>
    %dma_wait3A_136 = tpu.memref_squeeze %dma_wait3A_135 : memref<1x100x64xf32, #tpu.memory_space<vmem>> -> memref<100x64xf32, #tpu.memory_space<vmem>>
    tpu.wait_dma2 semaphore(%arg21 : memref<!tpu.dma_semaphore, #tpu.memory_space<semaphore_mem>>) src(%dma_wait3A_136 : memref<100x64xf32, #tpu.memory_space<vmem>>) dst(%dma_wait3A_132 : memref<100x64xf32, #tpu.memory_space<hbm>>)
    %mul3A_137 = arith.constant 256 : i32
    %mul3A_138 = arith.muli %add3A, %mul3A_137 : i32
    %add3A_139 = arith.constant 253 : i32
    %add3A_140 = arith.addi %mul3A_138, %add3A_139 : i32
    %div3A_141 = arith.constant 2 : i32
    %div3A_142 = arith.divsi %add3A_140, %div3A_141 : i32
    %rem3A_143 = arith.constant 2 : i32
    %rem3A_144 = arith.remsi %add3A_140, %rem3A_143 : i32
    %mul3A_145 = arith.constant 100 : i32
    %mul3A_146 = arith.muli %rem3A_144, %mul3A_145 : i32
    %dma_wait3A_147 = arith.constant 5 : i32
    %dma_wait3A_148 = arith.constant 0 : i32
    %dma_wait3A_149 = arith.constant 0 : i32
    %dma_wait3A_150 = tpu.memref_slice %arg8[%dma_wait3A_147, %dma_wait3A_148, %dma_wait3A_149] : memref<8x100x64xf32, #tpu.memory_space<vmem>> -> memref<1x100x64xf32, #tpu.memory_space<vmem>>
    %dma_wait3A_151 = tpu.memref_squeeze %dma_wait3A_150 : memref<1x100x64xf32, #tpu.memory_space<vmem>> -> memref<100x64xf32, #tpu.memory_space<vmem>>
    %dma_wait3A_152 = arith.constant 0 : i32
    %dma_wait3A_153 = tpu.memref_slice %arg5[%div3A_142, %mul3A_146, %dma_wait3A_152] : memref<4096x200x64xf32, #tpu.memory_space<hbm>> -> memref<1x100x64xf32, #tpu.memory_space<hbm>>
    %dma_wait3A_154 = tpu.memref_squeeze %dma_wait3A_153 : memref<1x100x64xf32, #tpu.memory_space<hbm>> -> memref<100x64xf32, #tpu.memory_space<hbm>>
    %dma_wait3A_155 = arith.constant 0 : i32
    %dma_wait3A_156 = tpu.memref_slice %arg5[%div3A_142, %mul3A_146, %dma_wait3A_155] : memref<4096x200x64xf32, #tpu.memory_space<hbm>> -> memref<1x100x64xf32, #tpu.memory_space<hbm>>
    %dma_wait3A_157 = tpu.memref_squeeze %dma_wait3A_156 : memref<1x100x64xf32, #tpu.memory_space<hbm>> -> memref<100x64xf32, #tpu.memory_space<hbm>>
    %dma_wait3A_158 = arith.constant 0 : i32
    %dma_wait3A_159 = arith.constant 0 : i32
    %dma_wait3A_160 = tpu.memref_slice %arg8[%dma_wait3A_147, %dma_wait3A_158, %dma_wait3A_159] : memref<8x100x64xf32, #tpu.memory_space<vmem>> -> memref<1x100x64xf32, #tpu.memory_space<vmem>>
    %dma_wait3A_161 = tpu.memref_squeeze %dma_wait3A_160 : memref<1x100x64xf32, #tpu.memory_space<vmem>> -> memref<100x64xf32, #tpu.memory_space<vmem>>
    tpu.wait_dma2 semaphore(%arg22 : memref<!tpu.dma_semaphore, #tpu.memory_space<semaphore_mem>>) src(%dma_wait3A_161 : memref<100x64xf32, #tpu.memory_space<vmem>>) dst(%dma_wait3A_157 : memref<100x64xf32, #tpu.memory_space<hbm>>)
    %mul3A_162 = arith.constant 256 : i32
    %mul3A_163 = arith.muli %add3A, %mul3A_162 : i32
    %add3A_164 = arith.constant 254 : i32
    %add3A_165 = arith.addi %mul3A_163, %add3A_164 : i32
    %div3A_166 = arith.constant 2 : i32
    %div3A_167 = arith.divsi %add3A_165, %div3A_166 : i32
    %rem3A_168 = arith.constant 2 : i32
    %rem3A_169 = arith.remsi %add3A_165, %rem3A_168 : i32
    %mul3A_170 = arith.constant 100 : i32
    %mul3A_171 = arith.muli %rem3A_169, %mul3A_170 : i32
    %dma_wait3A_172 = arith.constant 6 : i32
    %dma_wait3A_173 = arith.constant 0 : i32
    %dma_wait3A_174 = arith.constant 0 : i32
    %dma_wait3A_175 = tpu.memref_slice %arg8[%dma_wait3A_172, %dma_wait3A_173, %dma_wait3A_174] : memref<8x100x64xf32, #tpu.memory_space<vmem>> -> memref<1x100x64xf32, #tpu.memory_space<vmem>>
    %dma_wait3A_176 = tpu.memref_squeeze %dma_wait3A_175 : memref<1x100x64xf32, #tpu.memory_space<vmem>> -> memref<100x64xf32, #tpu.memory_space<vmem>>
    %dma_wait3A_177 = arith.constant 0 : i32
    %dma_wait3A_178 = tpu.memref_slice %arg5[%div3A_167, %mul3A_171, %dma_wait3A_177] : memref<4096x200x64xf32, #tpu.memory_space<hbm>> -> memref<1x100x64xf32, #tpu.memory_space<hbm>>
    %dma_wait3A_179 = tpu.memref_squeeze %dma_wait3A_178 : memref<1x100x64xf32, #tpu.memory_space<hbm>> -> memref<100x64xf32, #tpu.memory_space<hbm>>
    %dma_wait3A_180 = arith.constant 0 : i32
    %dma_wait3A_181 = tpu.memref_slice %arg5[%div3A_167, %mul3A_171, %dma_wait3A_180] : memref<4096x200x64xf32, #tpu.memory_space<hbm>> -> memref<1x100x64xf32, #tpu.memory_space<hbm>>
    %dma_wait3A_182 = tpu.memref_squeeze %dma_wait3A_181 : memref<1x100x64xf32, #tpu.memory_space<hbm>> -> memref<100x64xf32, #tpu.memory_space<hbm>>
    %dma_wait3A_183 = arith.constant 0 : i32
    %dma_wait3A_184 = arith.constant 0 : i32
    %dma_wait3A_185 = tpu.memref_slice %arg8[%dma_wait3A_172, %dma_wait3A_183, %dma_wait3A_184] : memref<8x100x64xf32, #tpu.memory_space<vmem>> -> memref<1x100x64xf32, #tpu.memory_space<vmem>>
    %dma_wait3A_186 = tpu.memref_squeeze %dma_wait3A_185 : memref<1x100x64xf32, #tpu.memory_space<vmem>> -> memref<100x64xf32, #tpu.memory_space<vmem>>
    tpu.wait_dma2 semaphore(%arg23 : memref<!tpu.dma_semaphore, #tpu.memory_space<semaphore_mem>>) src(%dma_wait3A_186 : memref<100x64xf32, #tpu.memory_space<vmem>>) dst(%dma_wait3A_182 : memref<100x64xf32, #tpu.memory_space<hbm>>)
    %mul3A_187 = arith.constant 256 : i32
    %mul3A_188 = arith.muli %add3A, %mul3A_187 : i32
    %add3A_189 = arith.constant 255 : i32
    %add3A_190 = arith.addi %mul3A_188, %add3A_189 : i32
    %div3A_191 = arith.constant 2 : i32
    %div3A_192 = arith.divsi %add3A_190, %div3A_191 : i32
    %rem3A_193 = arith.constant 2 : i32
    %rem3A_194 = arith.remsi %add3A_190, %rem3A_193 : i32
    %mul3A_195 = arith.constant 100 : i32
    %mul3A_196 = arith.muli %rem3A_194, %mul3A_195 : i32
    %dma_wait3A_197 = arith.constant 7 : i32
    %dma_wait3A_198 = arith.constant 0 : i32
    %dma_wait3A_199 = arith.constant 0 : i32
    %dma_wait3A_200 = tpu.memref_slice %arg8[%dma_wait3A_197, %dma_wait3A_198, %dma_wait3A_199] : memref<8x100x64xf32, #tpu.memory_space<vmem>> -> memref<1x100x64xf32, #tpu.memory_space<vmem>>
    %dma_wait3A_201 = tpu.memref_squeeze %dma_wait3A_200 : memref<1x100x64xf32, #tpu.memory_space<vmem>> -> memref<100x64xf32, #tpu.memory_space<vmem>>
    %dma_wait3A_202 = arith.constant 0 : i32
    %dma_wait3A_203 = tpu.memref_slice %arg5[%div3A_192, %mul3A_196, %dma_wait3A_202] : memref<4096x200x64xf32, #tpu.memory_space<hbm>> -> memref<1x100x64xf32, #tpu.memory_space<hbm>>
    %dma_wait3A_204 = tpu.memref_squeeze %dma_wait3A_203 : memref<1x100x64xf32, #tpu.memory_space<hbm>> -> memref<100x64xf32, #tpu.memory_space<hbm>>
    %dma_wait3A_205 = arith.constant 0 : i32
    %dma_wait3A_206 = tpu.memref_slice %arg5[%div3A_192, %mul3A_196, %dma_wait3A_205] : memref<4096x200x64xf32, #tpu.memory_space<hbm>> -> memref<1x100x64xf32, #tpu.memory_space<hbm>>
    %dma_wait3A_207 = tpu.memref_squeeze %dma_wait3A_206 : memref<1x100x64xf32, #tpu.memory_space<hbm>> -> memref<100x64xf32, #tpu.memory_space<hbm>>
    %dma_wait3A_208 = arith.constant 0 : i32
    %dma_wait3A_209 = arith.constant 0 : i32
    %dma_wait3A_210 = tpu.memref_slice %arg8[%dma_wait3A_197, %dma_wait3A_208, %dma_wait3A_209] : memref<8x100x64xf32, #tpu.memory_space<vmem>> -> memref<1x100x64xf32, #tpu.memory_space<vmem>>
    %dma_wait3A_211 = tpu.memref_squeeze %dma_wait3A_210 : memref<1x100x64xf32, #tpu.memory_space<vmem>> -> memref<100x64xf32, #tpu.memory_space<vmem>>
    tpu.wait_dma2 semaphore(%arg24 : memref<!tpu.dma_semaphore, #tpu.memory_space<semaphore_mem>>) src(%dma_wait3A_211 : memref<100x64xf32, #tpu.memory_space<vmem>>) dst(%dma_wait3A_207 : memref<100x64xf32, #tpu.memory_space<hbm>>)
    return
  }
}

</mosaic_0001>

<sc_bundles>
// kernel: kernel.3.cloned.1.call-start
scs
__scs_entry_jumppad:
0x0: {  	(pc) =	sbr.rel $0x88, $3  }
0x1: {  	(tag) =	ssettag $0x0;
	lr =	simm.s32 $0x1  }
0x2: {  	[smem:$0x3F9E] =	sst lr;
	_ =	strace $0xD0000000  }
0x3: {  	_ = 	snop  }
0x4: {  	_ = 	snop  }
0x5: {  	_ = 	snop  }
0x6: {  	_ = 	snop  }
0x7: {  	_ = 	snop  }
__scs_overlays_trampoline_lowered:
0x8: {  	[smem:$0x3FAD] =	sst s0  }
0x9: {  	[smem:$0x3FAE] =	sst s1  }
0xa: {  	[smem:$0x3FAF] =	sst s2  }
0xb: {  	[smem:$0x3FB0] =	sst s3  }
0xc: {  	[smem:$0x3FB1] =	sst s4  }
0xd: {  	[smem:$0x3FB2] =	sst s5  }
0xe: {  	[smem:$0x3FB3] =	sst s6  }
0xf: {  	[smem:$0x3FB4] =	sst s7  }
0x10: {  	[smem:$0x3FB5] =	sst s8  }
0x11: {  	[smem:$0x3FB6] =	sst s9;
	s0 =	simm.s32 @!p0 $0x0  }
0x12: {  	s1 =	sld [smem:$0x3F9C];
	s0 =	simm.s32 @p0 $0x1  }
0x13: {  	[smem:$0x3FB7] =	sst s0;
	s0 =	simm.s32 @!p1 $0x0  }
0x14: {  	s2 =	sld [smem:$0x3F9B];
	s0 =	simm.s32 @p1 $0x1  }
0x15: {  	[smem:$0x3FB8] =	sst s0;
	s0 =	simm.s32 @!p2 $0x0  }
0x16: {  	s3 =	sld [smem:$0x3FDB];
	s0 =	simm.s32 @p2 $0x1  }
0x17: {  	s4 =	simm.s32 $0x1BF5;
	[smem:$0x3FBA] =	sst s0  }
0x18: {  	s0 =	sld [smem:$0x3F9D];
	_ =	swait.ge [sflag:s4], $0x0  }
0x19: {  	s7 =	sld [smem:$0x3F9E]  }
0x1a: {  	s8 =	sadd.s32 $0xFFFFE003, lr  }
0x1b: {  	s9 =	sadd.s32 $0xFFFFFEF7, lr;
	s5 =	simm.s32 $0xFFFFFFFF;
	p2 =	slt.u32 s8, $0xFFFFF086  }
0x1c: {  	p1 =	slt.u32 s9, $0xF7A;
	s5 =	simm.s32 @!p2 $0x0  }
0x1d: {  	s5 =	simm.s32 @p1 $0x1;
	p0 =	seq.s32 s7, s2  }
0x1e: {  	s7 =	smul.u32 @!p0 $0xF7A, s2;
	p2 =	seq.s32 @!p0 s5, $0x0  }
0x1f: {  	s9 =	smul.u32 $0xF7A, s1;
	s8 =	simm.s32 @!p0 $0x1BF5;
	p2 =	por !p2, p0  }
0x20: {  	[sflag:s8] =	ssyncset.s32 @!p0 $0xFFFFF086;
	s6 =	sadd.s32 @!p0 s3, s7;
	s7 =	simm.s32 @!p0 $0x108  }
0x21: {  	s3 =	sadd.s32 s3, s9;
	s6 =	sadd.s32 @!p0 $0x88, s6;
	s7 =	simm.s32 @p2 $0x1082  }
0x22: {  	[simem:s7], [sflag:s8] =	dma.local @!p0 [hbm:s6], $0xF7A  }
0x23: {  	s9 =	sor.u32 $0xD0000000, s2;
	s6 =	simm.s32 $0x108;
	_ =	swait.ge @!p0 [sflag:s8], $0x0  }
0x24: {  	s3 =	sadd.s32 $0x88, s3;
	s6 =	simm.s32 @!p1 $0x1082;
	[sflag:s4] =	ssyncset.s32 $0xFFFFF086  }
0x25: {  	[simem:s6], [sflag:s4] =	dma.local [hbm:s3], $0xF7A  }
0x26: {  	[smem:$0x3F9E] =	sst s1;
	(tag) =	ssettag s2;
	_ =	strace s9  }
0x27: {  	s1 =	sld [smem:$0x3FAE]  }
0x28: {  	s2 =	sld [smem:$0x3FAF]  }
0x29: {  	s4 =	sld [smem:$0x3FB1]  }
0x2a: {  	p0 =	seq.s32 s5, $0x0;
	s5 =	sld [smem:$0x3FB2]  }
0x2b: {  	s6 =	sld [smem:$0x3FB3]  }
0x2c: {  	s7 =	sld [smem:$0x3FB4]  }
0x2d: {  	s3 =	simm.s32 $0x108;
	s8 =	sld [smem:$0x3FB5]  }
0x2e: {  	s3 =	simm.s32 @!p0 $0x1082;
	s9 =	sld [smem:$0x3FB6]  }
0x2f: {  	lr =	sadd.s32 s0, s3;
	s0 =	sld [smem:$0x3FAD]  }
0x30: {  	s3 =	sld [smem:$0x3FB0]  }
0x31: {  	[smem:$0x3FB9] =	sst s10  }
0x32: {  	s10 =	sld [smem:$0x3FB7];
	_ =	sdelay $0x3  }
0x33: {  	p0 =	seq.s32 s10, $0x1;
	s10 =	sld [smem:$0x3FB9];
	_ =	sdelay $0x3  }
0x34: {  	[smem:$0x3FB9] =	sst s10  }
0x35: {  	s10 =	sld [smem:$0x3FB8];
	_ =	sdelay $0x3  }
0x36: {  	p1 =	seq.s32 s10, $0x1;
	s10 =	sld [smem:$0x3FB9];
	_ =	sdelay $0x3  }
0x37: {  	[smem:$0x3FB9] =	sst s10  }
0x38: {  	s10 =	sld [smem:$0x3FBA]  }
0x39: {  	_ = 	snop;
	(pc) =	sbr.ind lr, $3  }
0x3a: {  	_ = 	snop  }
0x3b: {  	_ = 	snop  }
0x3c: {  	p2 =	seq.s32 s10, $0x1;
	s10 =	sld [smem:$0x3FB9]  }
0x3d: {  	_ =	shalt  }
0x3e: {  	_ =	shalt  }
0x3f: {  	_ =	shalt  }
0x40: {  	_ =	shalt  }
0x41: {  	_ =	shalt  }
0x42: {  	_ =	shalt  }
0x43: {  	_ =	shalt  }
0x44: {  	_ =	shalt  }
0x45: {  	_ =	shalt  }
0x46: {  	_ =	shalt  }
0x47: {  	_ =	shalt  }
0x48: {  	_ =	shalt  }
0x49: {  	_ =	shalt  }
0x4a: {  	_ =	shalt  }
0x4b: {  	_ =	shalt  }
0x4c: {  	_ =	shalt  }
0x4d: {  	_ =	shalt  }
0x4e: {  	_ =	shalt  }
0x4f: {  	_ =	shalt  }
0x50: {  	_ =	shalt  }
0x51: {  	_ =	shalt  }
0x52: {  	_ =	shalt  }
0x53: {  	_ =	shalt  }
0x54: {  	_ =	shalt  }
0x55: {  	_ =	shalt  }
0x56: {  	_ =	shalt  }
0x57: {  	_ =	shalt  }
0x58: {  	_ =	shalt  }
0x59: {  	_ =	shalt  }
0x5a: {  	_ =	shalt  }
0x5b: {  	_ =	shalt  }
0x5c: {  	_ =	shalt  }
0x5d: {  	_ =	shalt  }
0x5e: {  	_ =	shalt  }
0x5f: {  	_ =	shalt  }
0x60: {  	_ =	shalt  }
0x61: {  	_ =	shalt  }
0x62: {  	_ =	shalt  }
0x63: {  	_ =	shalt  }
0x64: {  	_ =	shalt  }
0x65: {  	_ =	shalt  }
0x66: {  	_ =	shalt  }
0x67: {  	_ =	shalt  }
0x68: {  	_ =	shalt  }
0x69: {  	_ =	shalt  }
0x6a: {  	_ =	shalt  }
0x6b: {  	_ =	shalt  }
0x6c: {  	_ =	shalt  }
0x6d: {  	_ =	shalt  }
0x6e: {  	_ =	shalt  }
0x6f: {  	_ =	shalt  }
0x70: {  	_ =	shalt  }
0x71: {  	_ =	shalt  }
0x72: {  	_ =	shalt  }
0x73: {  	_ =	shalt  }
0x74: {  	_ =	shalt  }
0x75: {  	_ =	shalt  }
0x76: {  	_ =	shalt  }
0x77: {  	_ =	shalt  }
0x78: {  	_ =	shalt  }
0x79: {  	_ =	shalt  }
0x7a: {  	_ =	shalt  }
0x7b: {  	_ =	shalt  }
0x7c: {  	_ =	shalt  }
0x7d: {  	_ =	shalt  }
0x7e: {  	_ =	shalt  }
0x7f: {  	_ =	shalt  }
0x80: {  	_ =	shalt  }
0x81: {  	_ =	shalt  }
0x82: {  	_ =	shalt  }
0x83: {  	_ =	shalt  }
0x84: {  	_ =	shalt  }
0x85: {  	_ =	shalt  }
0x86: {  	_ =	shalt  }
0x87: {  	_ =	shalt  }
.Lfunc_end0:
.L_simem_size_0:
called_computation.1_lowered:
.L_overlay_start_0:
0x88: {  	s2 =	sld [smem:$0x3FD9]  }
0x89: {  	s3 =	sld [smem:$0x3FFE];
	_ =	sdelay $0x1  }
0x8a: {  	s1 =	srdreg.scid  }
0x8b: {  	s0 =	sand.u32 $0x1, s1  }
0x8c: {  	s17 =	sshll.u32 s0, $0xA;
	s2 =	sadd.s32 s3, s2  }
0x8d: {  	s2 =	sadd.s32 s2, s17  }
0x8e: {  	[smem:$0x3FC5] =	sst s2  }
0x8f: {  	_ = 	snop  }
0x90: {  	s2 =	sld [smem:$0x3FD0];
	(tm) =	ssettm $0x1  }
0x91: {  	s18 =	sld [smem:$0x3FFB];
	_ =	sdelay $0x3  }
0x92: {  	_ =	strace s18  }
0x93: {  	s3 =	sld [smem:$0x3FFC];
	_ =	sdelay $0x3  }
0x94: {  	_ =	strace s3  }
0x95: {  	s3 =	sld [smem:$0x3FFD];
	_ =	sdelay $0x3  }
0x96: {  	_ =	strace s3  }
0x97: {  	_ =	strace $0x8FFFFFFF  }
0x98: {  	s19 =	sld [smem:$0x3FDB];
	_ =	sdelay $0x1  }
0x99: {  	s4 =	simm.s32 $_scs_section_size  }
0x9a: {  	s5 =	simm.s32 $_size__tile_overlayer_lowered;
	s6 =	simm.s32 $_tile_overlayer_lowered  }
0x9b: {  	s22 =	simm.s32 $0x1BFF;
	s21 =	sshll.u32 s6, $0x1;
	s3 =	sadd.s32 s4, s19  }
0x9c: {  	s7 =	simm.s32 $0x0;
	s20 =	sshll.u32 s5, $0x1;
	s5 =	sadd.s32 s21, s3  }
0x9d: {  	[timem:s7], [sflag:s22] =	dma.local [hbm:s5], s20  }
0x9e: {  	_ =	swait.ge [sflag:s22], s20  }
0x9f: {  	s4 =	ssub.s32 $0x0, s20;
	[sflag:s22] =	ssyncset.done $0x0  }
0xa0: {  	[sflag:s22] =	ssyncadd.s32 s4;
	_ =	sdelay $0x1  }
0xa1: {  	s23 =	simm.s32 $0x1B8B  }
0xa2: {  	_ =	swait.ge [sflag:s23], $0x1  }
0xa3: {  	[sflag:s23] =	ssyncset.done $0x0  }
0xa4: {  	s25 =	simm.s32 $0x1B8E;
	s24 =	sld [smem:$0x3FFE];
	[sflag:s23] =	ssyncadd.s32 $0xFFFFFFFF  }
0xa5: {  	s26 =	simm.s32 $execute0_lowered;
	[smem:$0x3FD2] =	sst s25  }
0xa6: {  	s5 =	sshll.u32 s26, $0x1;
	_ =	strace $0x80000046;
	[dreg:$0x1] =	wrdreg $0xFFFFFFFF  }
0xa7: {  	s28 =	simm.s32 $_size_execute0_lowered;
	s3 =	sadd.s32 s3, s5;
	[dreg:$0x0] =	wrdreg $0x0  }
0xa8: {  	s5 =	sshll.u32 s28, $0x1;
	[dreg:$0x2] =	wrdreg s3  }
0xa9: {  	[dreg:$0x3] =	wrdreg s5  }
0xaa: {  	[dreg:$0x4] =	wrdreg $0xC0  }
0xab: {  	_ =	task [dreg:s7], $0x5FFFF  }
0xac: {  	[dreg:$0x1] =	wrdreg $0xFFFFFFFF  }
0xad: {  	[dreg:$0x0] =	wrdreg $0x60  }
0xae: {  	[dreg:$0x2] =	wrdreg s24  }
0xaf: {  	[dreg:$0x3] =	wrdreg s2  }
0xb0: {  	[dreg:$0x4] =	wrdreg $0x9  }
0xb1: {  	_ =	task.clear_ibuf [dreg:s7], $0x5FFFF;
	_ =	strace $0x90000046  }
0xb2: {  	s29 =	simm.s32 $0x9;
	_ =	strace $0x80000048  }
0xb3: {  	_ =	swait.ge [sflag:s29], $0x1  }
0xb4: {  	[sflag:s29] =	ssyncadd.s32 $0xFFFFFFFF  }
0xb5: {  	_ =	strace $0x90000048  }
0xb6: {  	_ =	sfence  }
0xb7: {  	s30 =	sld [smem:$0x0];
	_ =	sdelay $0x2  }
0xb8: {  	s31 =	sshll.u32 s1, $0xD;
	s1 =	sshrl.u32 s1, $0x2  }
0xb9: {  	s3 =	sand.u32 $0x4000, s31;
	s1 =	sadd.s32 s1, s30  }
0xba: {  	s0 =	sor.u32 s3, s0;
	s1 =	sshll.u32 s1, $0x11  }
0xbb: {  	s0 =	sor.u32 s1, s0  }
0xbc: {  	s0 =	sadd.s32 $0x8F2B, s0  }
0xbd: {  	[sflag:s0] =	ssyncadd.remote.s32 $0x1  }
0xbe: {  	_ =	sfence.sel $0xFFFF  }
0xbf: {  	[dreg:$0x0] =	wrdreg $0xFFFFFFFF;
	(pc) =	sbr.abs _section_cstart, $3  }
0xc0: {  	[dreg:$0x1] =	wrdreg $0xFFFFFFFF  }
0xc1: {  	_ =	task.clear_ibuf [dreg:s7], $0x2FFFF;
	_ =	strace $0x9FFFFFFF  }
0xc2: {  	(tm) =	ssettm $0x7FFFFFFF  }
0xc3: {  	_ =	shalt  }
tec
execute0_lowered:
.L_overlay_start_1:
0x0: {  	(tag) =	ssettag $0x1  }
0x1: {  	s0 =	srdreg.scid;
	s2 =	stileid.u32  }
0x2: {  	s1 =	rddreg [dreg:$0x0];
	s5 =	simm.s32 $0x0;
	s11 =	simm.s32 $0x64  }
0x3: {  	s12 =	simm.s32 $0x9A00;
	s13 =	simm.s32 $0xB300;
	s14 =	simm.s32 $0xCC00  }
0x4: {  	s15 =	simm.s32 $0xE500;
	s16 =	simm.s32 $0xFE00;
	s17 =	simm.s32 $0x11700  }
0x5: {  	s18 =	simm.s32 $0x13000;
	s19 =	simm.s32 $0x14900;
	s20 =	simm.s32 $0x1  }
0x6: {  	s21 =	simm.s32 $0x2;
	s22 =	simm.s32 $0x3;
	s23 =	simm.s32 $0x4  }
0x7: {  	s24 =	simm.s32 $0x5;
	s25 =	simm.s32 $0x6;
	s0 =	sand.u32 $0x1, s0  }
0x8: {  	s3 =	sshll.u32 s2, $0x9;
	s4 =	sshll.u32 s0, $0x8;
	s0 =	ssub.s32 $0x2, s0  }
0x9: {  	s2 =	rddreg [dreg:$0x1];
	s3 =	sor.u32 s4, s3;
	s6 =	sshrl.u32 s0, $0x1  }
0xa: {  	[smem:$0x7FF] =	sst s5;
	s4 =	smul.u32 $0xD, s3;
	s0 =	ssub.s32 s0, s6  }
0xb: {  	s5 =	sadd.s32 $0xF43000, s1;
	_ =	strace $0x80000047;
	s0 =	smax.u32 s0, $0x1  }
0xc: {  	s4 =	sadd.s32 s4, s1;
	s1 =	sadd.s32 $0x1AC00, s1;
	[dreg:$0x5] =	wrdreg s0  }
0xd: {  	s26 =	simm.s32 $0x7;
	[dreg:$0x3] =	wrdreg s1;
	s31 =	sadd.s32 $0xC00, s4  }
0xe: {  	s28 =	simm.s32 $0x8;
	s4 =	simm.s32 $0x0;
	[dreg:$0x4] =	wrdreg s31  }
.LBB2_1:
0xf: {  	[dreg:$0x6] =	wrdreg s4  }
0x10: {  	s0 =	simm.s32 $0x0;
	s1 =	rddreg [dreg:$0x4];
	s30 =	simm.s32 $0x11  }
0x11: {  	[tilespmem:s0], [sflag:$0x11] =	stream.linear.gather [hbm4b:s1+s0], $0x6800, $0x38;
	[tilespmem:$0x16200] =	vst v63  }
0x12: {  	_ =	swait.ge [sflag:s30], $0x6800  }
0x13: {  	[sflag:s30] =	ssyncset.done $0x0  }
0x14: {  	s6 =	simm.s32 $0x6800;
	s31 =	rddreg [dreg:$0x3];
	[sflag:s30] =	ssyncadd.s32 $0xFFFF9800  }
0x15: {  	[tilespmem:s6], [sflag:$0x11] =	stream.linear.gather [hbm4b:s31+s0], $0x3200, $0x38;
	[tilespmem:$0x16200] =	vst v63  }
0x16: {  	_ =	swait.ge [sflag:s30], $0x3200  }
0x17: {  	[sflag:s30] =	ssyncset.done $0x0  }
0x18: {  	s29 =	simm.s32 $0x0;
	[sflag:s30] =	ssyncadd.s32 $0xFFFFCE00  }
.LBB2_2:
0x19: {  	p0 =	seq.s32 s29, $0x0  }
0x1a: {  	s0 =	simm.s32 @!p0 $0x9  }
0x1b: {  	_ =	swait.ge @!p0 [sflag:s0], $0x1900  }
0x1c: {  	[sflag:s0] =	ssyncset.done @!p0 $0x0  }
0x1d: {  	[sflag:s0] =	ssyncadd.s32 @!p0 $0xFFFFE700;
	s0 =	simm.s32 @!p0 $0xA  }
0x1e: {  	_ =	swait.ge @!p0 [sflag:s0], $0x1900  }
0x1f: {  	[sflag:s0] =	ssyncset.done @!p0 $0x0  }
0x20: {  	[sflag:s0] =	ssyncadd.s32 @!p0 $0xFFFFE700;
	s0 =	simm.s32 @!p0 $0xB  }
0x21: {  	_ =	swait.ge @!p0 [sflag:s0], $0x1900  }
0x22: {  	[sflag:s0] =	ssyncset.done @!p0 $0x0  }
0x23: {  	[sflag:s0] =	ssyncadd.s32 @!p0 $0xFFFFE700;
	s0 =	simm.s32 @!p0 $0xC  }
0x24: {  	_ =	swait.ge @!p0 [sflag:s0], $0x1900  }
0x25: {  	[sflag:s0] =	ssyncset.done @!p0 $0x0  }
0x26: {  	[sflag:s0] =	ssyncadd.s32 @!p0 $0xFFFFE700;
	s0 =	simm.s32 @!p0 $0xD  }
0x27: {  	_ =	swait.ge @!p0 [sflag:s0], $0x1900  }
0x28: {  	[sflag:s0] =	ssyncset.done @!p0 $0x0  }
0x29: {  	[sflag:s0] =	ssyncadd.s32 @!p0 $0xFFFFE700;
	s0 =	simm.s32 @!p0 $0xE  }
0x2a: {  	_ =	swait.ge @!p0 [sflag:s0], $0x1900  }
0x2b: {  	[sflag:s0] =	ssyncset.done @!p0 $0x0  }
0x2c: {  	[sflag:s0] =	ssyncadd.s32 @!p0 $0xFFFFE700;
	s0 =	simm.s32 @!p0 $0xF  }
0x2d: {  	_ =	swait.ge @!p0 [sflag:s0], $0x1900  }
0x2e: {  	[sflag:s0] =	ssyncset.done @!p0 $0x0  }
0x2f: {  	[sflag:s0] =	ssyncadd.s32 @!p0 $0xFFFFE700;
	s0 =	simm.s32 @!p0 $0x10  }
0x30: {  	s1 =	smul.u32 $0xD00, s29;
	_ =	swait.ge @!p0 [sflag:s0], $0x1900  }
0x31: {  	s7 =	sshll.u32 s29, $0x3;
	[sflag:s0] =	ssyncset.done @!p0 $0x0  }
0x32: {  	s6 =	sor.u32 $0x2, s7;
	s10 =	sshra.s32 s1, $0x2;
	[sflag:s0] =	ssyncadd.s32 @!p0 $0xFFFFE700  }
0x33: {  	[tilespmem:s12], [sflag:$0x1] =	stream.indirect.gather [hbm4b:s5+s11], $0x40, s10, s11, $0xb8;
	[tilespmem:$0x16200] =	vst v63  }
0x34: {  	s1 =	smul.u32 $0x1A0, s6;
	s0 =	sadd.s32 $0x68, s10;
	s10 =	sor.u32 $0x3, s7  }
0x35: {  	[tilespmem:s13], [sflag:$0x2] =	stream.indirect.gather [hbm4b:s5+s11], $0x40, s0, s11, $0xb8;
	[tilespmem:$0x16200] =	vst v63  }
0x36: {  	s4 =	smul.u32 $0x1A0, s10;
	s0 =	sshra.s32 s1, $0x2  }
0x37: {  	[tilespmem:s14], [sflag:$0x3] =	stream.indirect.gather [hbm4b:s5+s11], $0x40, s0, s11, $0xb8;
	[tilespmem:$0x16200] =	vst v63  }
0x38: {  	s0 =	sor.u32 $0x4, s7  }
0x39: {  	s1 =	sor.u32 $0x5, s7;
	s8 =	sshra.s32 s4, $0x2;
	s4 =	smul.u32 $0x1A0, s0  }
0x3a: {  	[tilespmem:s15], [sflag:$0x4] =	stream.indirect.gather [hbm4b:s5+s11], $0x40, s8, s11, $0xb8;
	[tilespmem:$0x16200] =	vst v63  }
0x3b: {  	s31 =	sor.u32 $0x6, s7;
	s8 =	smul.u32 $0x1A0, s1;
	s4 =	sshra.s32 s4, $0x2  }
0x3c: {  	[tilespmem:s16], [sflag:$0x5] =	stream.indirect.gather [hbm4b:s5+s11], $0x40, s4, s11, $0xb8;
	[tilespmem:$0x16200] =	vst v63  }
0x3d: {  	s30 =	sor.u32 $0x7, s7;
	s9 =	sshra.s32 s8, $0x2;
	s8 =	smul.u32 $0x1A0, s31  }
0x3e: {  	[tilespmem:s17], [sflag:$0x6] =	stream.indirect.gather [hbm4b:s5+s11], $0x40, s9, s11, $0xb8;
	[tilespmem:$0x16200] =	vst v63  }
0x3f: {  	s4 =	sshra.s32 s8, $0x2;
	s9 =	smul.u32 $0x1A0, s30  }
0x40: {  	[tilespmem:s18], [sflag:$0x7] =	stream.indirect.gather [hbm4b:s5+s11], $0x40, s4, s11, $0xb8;
	[tilespmem:$0x16200] =	vst v63  }
0x41: {  	s9 =	sshra.s32 s9, $0x2  }
0x42: {  	[tilespmem:s19], [sflag:$0x8] =	stream.indirect.gather [hbm4b:s5+s11], $0x40, s9, s11, $0xb8;
	[tilespmem:$0x16200] =	vst v63  }
0x43: {  	_ =	swait.ge [sflag:s20], $0x1900  }
0x44: {  	[sflag:s20] =	ssyncset.done $0x0  }
0x45: {  	s9 =	simm.s32 $0x0;
	[sflag:s20] =	ssyncadd.s32 $0xFFFFE700  }
0x46: {  	v1 =	vld [tilespmem:s9+$0x6830]  }
0x47: {  	v2 =	vld [tilespmem:s9+$0x6800]  }
0x48: {  	v3 =	vld [tilespmem:s9+$0x6810]  }
0x49: {  	v0 =	vld [tilespmem:s9+$0x6820];
	_ =	sdelay $0x1  }
0x4a: {  	[tilespmem:s9+$0x9A30] =	vst.add.f32.msk $0xffff, v1  }
0x4b: {  	[tilespmem:s9+$0x9A00] =	vst.add.f32.msk $0xffff, v2  }
0x4c: {  	s8 =	simm.s32 $0x40;
	s4 =	simm.s32 $0x200;
	[tilespmem:s9+$0x9A10] =	vst.add.f32.msk $0xffff, v3  }
.LBB2_3:
0x4d: {  	p0 =	sne.s32 s4, $0x6300;
	v1 =	vld [tilespmem:s8+$0x6830];
	v2 =	vmov v0  }
0x4e: {  	v3 =	vld [tilespmem:s8+$0x6800]  }
0x4f: {  	v4 =	vld [tilespmem:s8+$0x6810]  }
.Ltmp0:
0x50: {  	v0 =	vld [tilespmem:s8+$0x6820];
	(pc) =	sbr.rel @p0 .LBB2_3-.Ltmp0, $4  }
0x51: {  	[tilespmem:s9+$0x9A20] =	vst.add.f32.msk $0xffff, v2;
	s9 =	smov.u32 s8  }
0x52: {  	[tilespmem:s9+$0x9A30] =	vst.add.f32.msk $0xffff, v1  }
0x53: {  	[tilespmem:s9+$0x9A00] =	vst.add.f32.msk $0xffff, v3  }
0x54: {  	s8 =	sshra.s32 s4, $0x2;
	s4 =	sadd.s32 $0x100, s4;
	[tilespmem:s9+$0x9A10] =	vst.add.f32.msk $0xffff, v4  }
0x55: {  	v1 =	vld [tilespmem:s8+$0x6830]  }
0x56: {  	v2 =	vld [tilespmem:s8+$0x6800]  }
0x57: {  	v3 =	vld [tilespmem:s8+$0x6810]  }
0x58: {  	v4 =	vld [tilespmem:s8+$0x6820]  }
0x59: {  	[tilespmem:s9+$0x9A20] =	vst.add.f32.msk $0xffff, v0;
	s4 =	sor.u32 s3, s7  }
0x5a: {  	s7 =	sshrl.u32 s4, $0x1;
	[tilespmem:s8+$0x9A30] =	vst.add.f32.msk $0xffff, v1  }
0x5b: {  	s4 =	smul.u32 $0x640, s7;
	[tilespmem:s8+$0x9A00] =	vst.add.f32.msk $0xffff, v2  }
0x5c: {  	[tilespmem:s8+$0x9A10] =	vst.add.f32.msk $0xffff, v3  }
0x5d: {  	s9 =	simm.s32 $0x0;
	s4 =	sadd.s32 s2, s4;
	[tilespmem:s8+$0x9A20] =	vst.add.f32.msk $0xffff, v4  }
0x5e: {  	[hbm4b:s4+s9] =	stream.linear.scatter [tilespmem:s12], [sflag:$0x9], $0x1900, $0x38;
	[tilespmem:$0x16200] =	vst v63  }
0x5f: {  	_ =	swait.ge [sflag:s21], $0x1900  }
0x60: {  	[sflag:s21] =	ssyncset.done $0x0  }
0x61: {  	s9 =	simm.s32 $0x0;
	[sflag:s21] =	ssyncadd.s32 $0xFFFFE700  }
0x62: {  	v1 =	vld [tilespmem:s9+$0x8130]  }
0x63: {  	v2 =	vld [tilespmem:s9+$0x8100]  }
0x64: {  	v3 =	vld [tilespmem:s9+$0x8110]  }
0x65: {  	v0 =	vld [tilespmem:s9+$0x8120];
	_ =	sdelay $0x1  }
0x66: {  	[tilespmem:s9+$0xB330] =	vst.add.f32.msk $0xffff, v1  }
0x67: {  	[tilespmem:s9+$0xB300] =	vst.add.f32.msk $0xffff, v2  }
0x68: {  	s8 =	simm.s32 $0x40;
	s4 =	simm.s32 $0x200;
	[tilespmem:s9+$0xB310] =	vst.add.f32.msk $0xffff, v3  }
.LBB2_5:
0x69: {  	p0 =	sne.s32 s4, $0x6300;
	v1 =	vld [tilespmem:s8+$0x8130];
	v2 =	vmov v0  }
0x6a: {  	v3 =	vld [tilespmem:s8+$0x8100]  }
0x6b: {  	v4 =	vld [tilespmem:s8+$0x8110]  }
.Ltmp1:
0x6c: {  	v0 =	vld [tilespmem:s8+$0x8120];
	(pc) =	sbr.rel @p0 .LBB2_5-.Ltmp1, $4  }
0x6d: {  	[tilespmem:s9+$0xB320] =	vst.add.f32.msk $0xffff, v2;
	s9 =	smov.u32 s8  }
0x6e: {  	[tilespmem:s9+$0xB330] =	vst.add.f32.msk $0xffff, v1  }
0x6f: {  	[tilespmem:s9+$0xB300] =	vst.add.f32.msk $0xffff, v3  }
0x70: {  	s8 =	sshra.s32 s4, $0x2;
	s4 =	sadd.s32 $0x100, s4;
	[tilespmem:s9+$0xB310] =	vst.add.f32.msk $0xffff, v4  }
0x71: {  	v1 =	vld [tilespmem:s8+$0x8130]  }
0x72: {  	v2 =	vld [tilespmem:s8+$0x8100]  }
0x73: {  	v3 =	vld [tilespmem:s8+$0x8110]  }
0x74: {  	v4 =	vld [tilespmem:s8+$0x8120]  }
0x75: {  	[tilespmem:s9+$0xB320] =	vst.add.f32.msk $0xffff, v0;
	s4 =	smul.u32 $0x3200, s7  }
0x76: {  	[tilespmem:s8+$0xB330] =	vst.add.f32.msk $0xffff, v1  }
0x77: {  	s4 =	sshrl.u32 s4, $0x3;
	[tilespmem:s8+$0xB300] =	vst.add.f32.msk $0xffff, v2  }
0x78: {  	s4 =	sadd.s32 s2, s4;
	[tilespmem:s8+$0xB310] =	vst.add.f32.msk $0xffff, v3  }
0x79: {  	s9 =	simm.s32 $0x0;
	s4 =	sadd.s32 $0x320, s4;
	[tilespmem:s8+$0xB320] =	vst.add.f32.msk $0xffff, v4  }
0x7a: {  	[hbm4b:s4+s9] =	stream.linear.scatter [tilespmem:s13], [sflag:$0xA], $0x1900, $0x38;
	[tilespmem:$0x16200] =	vst v63  }
0x7b: {  	_ =	swait.ge [sflag:s22], $0x1900  }
0x7c: {  	[sflag:s22] =	ssyncset.done $0x0  }
0x7d: {  	s7 =	simm.s32 $0x0;
	[sflag:s22] =	ssyncadd.s32 $0xFFFFE700  }
0x7e: {  	v1 =	vld [tilespmem:s7+$0x6830]  }
0x7f: {  	v2 =	vld [tilespmem:s7+$0x6800]  }
0x80: {  	v3 =	vld [tilespmem:s7+$0x6810]  }
0x81: {  	v0 =	vld [tilespmem:s7+$0x6820];
	_ =	sdelay $0x1  }
0x82: {  	[tilespmem:s7+$0xCC30] =	vst.add.f32.msk $0xffff, v1  }
0x83: {  	[tilespmem:s7+$0xCC00] =	vst.add.f32.msk $0xffff, v2  }
0x84: {  	s8 =	simm.s32 $0x40;
	s4 =	simm.s32 $0x200;
	[tilespmem:s7+$0xCC10] =	vst.add.f32.msk $0xffff, v3  }
.LBB2_7:
0x85: {  	p0 =	sne.s32 s4, $0x6300;
	v1 =	vld [tilespmem:s8+$0x6830];
	v2 =	vmov v0  }
0x86: {  	v3 =	vld [tilespmem:s8+$0x6800]  }
0x87: {  	v4 =	vld [tilespmem:s8+$0x6810]  }
.Ltmp2:
0x88: {  	v0 =	vld [tilespmem:s8+$0x6820];
	(pc) =	sbr.rel @p0 .LBB2_7-.Ltmp2, $4  }
0x89: {  	[tilespmem:s7+$0xCC20] =	vst.add.f32.msk $0xffff, v2;
	s7 =	smov.u32 s8  }
0x8a: {  	[tilespmem:s7+$0xCC30] =	vst.add.f32.msk $0xffff, v1  }
0x8b: {  	[tilespmem:s7+$0xCC00] =	vst.add.f32.msk $0xffff, v3  }
0x8c: {  	s8 =	sshra.s32 s4, $0x2;
	s4 =	sadd.s32 $0x100, s4;
	[tilespmem:s7+$0xCC10] =	vst.add.f32.msk $0xffff, v4  }
0x8d: {  	v1 =	vld [tilespmem:s8+$0x6830]  }
0x8e: {  	v2 =	vld [tilespmem:s8+$0x6800]  }
0x8f: {  	v3 =	vld [tilespmem:s8+$0x6810]  }
0x90: {  	v4 =	vld [tilespmem:s8+$0x6820]  }
0x91: {  	[tilespmem:s7+$0xCC20] =	vst.add.f32.msk $0xffff, v0;
	s4 =	sor.u32 s3, s6  }
0x92: {  	s4 =	sshrl.u32 s4, $0x1;
	[tilespmem:s8+$0xCC30] =	vst.add.f32.msk $0xffff, v1  }
0x93: {  	s4 =	smul.u32 $0x640, s4;
	[tilespmem:s8+$0xCC00] =	vst.add.f32.msk $0xffff, v2  }
0x94: {  	[tilespmem:s8+$0xCC10] =	vst.add.f32.msk $0xffff, v3  }
0x95: {  	s9 =	simm.s32 $0x0;
	s4 =	sadd.s32 s2, s4;
	[tilespmem:s8+$0xCC20] =	vst.add.f32.msk $0xffff, v4  }
0x96: {  	[hbm4b:s4+s9] =	stream.linear.scatter [tilespmem:s14], [sflag:$0xB], $0x1900, $0x38;
	[tilespmem:$0x16200] =	vst v63  }
0x97: {  	_ =	swait.ge [sflag:s23], $0x1900  }
0x98: {  	[sflag:s23] =	ssyncset.done $0x0  }
0x99: {  	s6 =	simm.s32 $0x0;
	[sflag:s23] =	ssyncadd.s32 $0xFFFFE700  }
0x9a: {  	v1 =	vld [tilespmem:s6+$0x8130]  }
0x9b: {  	v2 =	vld [tilespmem:s6+$0x8100]  }
0x9c: {  	v3 =	vld [tilespmem:s6+$0x8110]  }
0x9d: {  	v0 =	vld [tilespmem:s6+$0x8120];
	_ =	sdelay $0x1  }
0x9e: {  	[tilespmem:s6+$0xE530] =	vst.add.f32.msk $0xffff, v1  }
0x9f: {  	[tilespmem:s6+$0xE500] =	vst.add.f32.msk $0xffff, v2  }
0xa0: {  	s7 =	simm.s32 $0x40;
	s4 =	simm.s32 $0x200;
	[tilespmem:s6+$0xE510] =	vst.add.f32.msk $0xffff, v3  }
.LBB2_9:
0xa1: {  	p0 =	sne.s32 s4, $0x6300;
	v1 =	vld [tilespmem:s7+$0x8130];
	v2 =	vmov v0  }
0xa2: {  	v3 =	vld [tilespmem:s7+$0x8100]  }
0xa3: {  	v4 =	vld [tilespmem:s7+$0x8110]  }
.Ltmp3:
0xa4: {  	v0 =	vld [tilespmem:s7+$0x8120];
	(pc) =	sbr.rel @p0 .LBB2_9-.Ltmp3, $4  }
0xa5: {  	[tilespmem:s6+$0xE520] =	vst.add.f32.msk $0xffff, v2;
	s6 =	smov.u32 s7  }
0xa6: {  	[tilespmem:s6+$0xE530] =	vst.add.f32.msk $0xffff, v1  }
0xa7: {  	[tilespmem:s6+$0xE500] =	vst.add.f32.msk $0xffff, v3  }
0xa8: {  	s7 =	sshra.s32 s4, $0x2;
	s4 =	sadd.s32 $0x100, s4;
	[tilespmem:s6+$0xE510] =	vst.add.f32.msk $0xffff, v4  }
0xa9: {  	v1 =	vld [tilespmem:s7+$0x8130]  }
0xaa: {  	v2 =	vld [tilespmem:s7+$0x8100]  }
0xab: {  	v3 =	vld [tilespmem:s7+$0x8110];
	s4 =	sor.u32 s3, s10  }
0xac: {  	v4 =	vld [tilespmem:s7+$0x8120];
	s4 =	sshrl.u32 s4, $0x1  }
0xad: {  	[tilespmem:s6+$0xE520] =	vst.add.f32.msk $0xffff, v0;
	s4 =	smul.u32 $0x3200, s4  }
0xae: {  	[tilespmem:s7+$0xE530] =	vst.add.f32.msk $0xffff, v1  }
0xaf: {  	s4 =	sshrl.u32 s4, $0x3;
	[tilespmem:s7+$0xE500] =	vst.add.f32.msk $0xffff, v2  }
0xb0: {  	[tilespmem:s7+$0xE510] =	vst.add.f32.msk $0xffff, v3;
	s4 =	sadd.s32 s2, s4  }
0xb1: {  	s10 =	simm.s32 $0x0;
	[tilespmem:s7+$0xE520] =	vst.add.f32.msk $0xffff, v4;
	s4 =	sadd.s32 $0x320, s4  }
0xb2: {  	[hbm4b:s4+s10] =	stream.linear.scatter [tilespmem:s15], [sflag:$0xC], $0x1900, $0x38;
	[tilespmem:$0x16200] =	vst v63  }
0xb3: {  	_ =	swait.ge [sflag:s24], $0x1900  }
0xb4: {  	[sflag:s24] =	ssyncset.done $0x0  }
0xb5: {  	s6 =	simm.s32 $0x0;
	[sflag:s24] =	ssyncadd.s32 $0xFFFFE700  }
0xb6: {  	v1 =	vld [tilespmem:s6+$0x6830]  }
0xb7: {  	v2 =	vld [tilespmem:s6+$0x6800]  }
0xb8: {  	v3 =	vld [tilespmem:s6+$0x6810]  }
0xb9: {  	v0 =	vld [tilespmem:s6+$0x6820];
	_ =	sdelay $0x1  }
0xba: {  	[tilespmem:s6+$0xFE30] =	vst.add.f32.msk $0xffff, v1  }
0xbb: {  	[tilespmem:s6+$0xFE00] =	vst.add.f32.msk $0xffff, v2  }
0xbc: {  	s7 =	simm.s32 $0x40;
	s4 =	simm.s32 $0x200;
	[tilespmem:s6+$0xFE10] =	vst.add.f32.msk $0xffff, v3  }
.LBB2_11:
0xbd: {  	p0 =	sne.s32 s4, $0x6300;
	v1 =	vld [tilespmem:s7+$0x6830];
	v2 =	vmov v0  }
0xbe: {  	v3 =	vld [tilespmem:s7+$0x6800]  }
0xbf: {  	v4 =	vld [tilespmem:s7+$0x6810]  }
.Ltmp4:
0xc0: {  	v0 =	vld [tilespmem:s7+$0x6820];
	(pc) =	sbr.rel @p0 .LBB2_11-.Ltmp4, $4  }
0xc1: {  	[tilespmem:s6+$0xFE20] =	vst.add.f32.msk $0xffff, v2;
	s6 =	smov.u32 s7  }
0xc2: {  	[tilespmem:s6+$0xFE30] =	vst.add.f32.msk $0xffff, v1  }
0xc3: {  	[tilespmem:s6+$0xFE00] =	vst.add.f32.msk $0xffff, v3  }
0xc4: {  	s7 =	sshra.s32 s4, $0x2;
	s4 =	sadd.s32 $0x100, s4;
	[tilespmem:s6+$0xFE10] =	vst.add.f32.msk $0xffff, v4  }
0xc5: {  	v1 =	vld [tilespmem:s7+$0x6830]  }
0xc6: {  	v2 =	vld [tilespmem:s7+$0x6800]  }
0xc7: {  	v3 =	vld [tilespmem:s7+$0x6810]  }
0xc8: {  	v4 =	vld [tilespmem:s7+$0x6820]  }
0xc9: {  	[tilespmem:s6+$0xFE20] =	vst.add.f32.msk $0xffff, v0;
	s0 =	sor.u32 s3, s0  }
0xca: {  	s0 =	sshrl.u32 s0, $0x1;
	[tilespmem:s7+$0xFE30] =	vst.add.f32.msk $0xffff, v1  }
0xcb: {  	s0 =	smul.u32 $0x640, s0;
	[tilespmem:s7+$0xFE00] =	vst.add.f32.msk $0xffff, v2  }
0xcc: {  	[tilespmem:s7+$0xFE10] =	vst.add.f32.msk $0xffff, v3  }
0xcd: {  	s4 =	simm.s32 $0x0;
	s0 =	sadd.s32 s2, s0;
	[tilespmem:s7+$0xFE20] =	vst.add.f32.msk $0xffff, v4  }
0xce: {  	[hbm4b:s0+s4] =	stream.linear.scatter [tilespmem:s16], [sflag:$0xD], $0x1900, $0x38;
	[tilespmem:$0x16200] =	vst v63  }
0xcf: {  	_ =	swait.ge [sflag:s25], $0x1900  }
0xd0: {  	[sflag:s25] =	ssyncset.done $0x0  }
0xd1: {  	s0 =	simm.s32 $0x0;
	[sflag:s25] =	ssyncadd.s32 $0xFFFFE700  }
0xd2: {  	v1 =	vld [tilespmem:s0+$0x8130]  }
0xd3: {  	v2 =	vld [tilespmem:s0+$0x8100]  }
0xd4: {  	v3 =	vld [tilespmem:s0+$0x8110]  }
0xd5: {  	v0 =	vld [tilespmem:s0+$0x8120];
	_ =	sdelay $0x1  }
0xd6: {  	[tilespmem:s0+$0x11730] =	vst.add.f32.msk $0xffff, v1  }
0xd7: {  	[tilespmem:s0+$0x11700] =	vst.add.f32.msk $0xffff, v2  }
0xd8: {  	s6 =	simm.s32 $0x40;
	s4 =	simm.s32 $0x200;
	[tilespmem:s0+$0x11710] =	vst.add.f32.msk $0xffff, v3  }
.LBB2_13:
0xd9: {  	p0 =	sne.s32 s4, $0x6300;
	v1 =	vld [tilespmem:s6+$0x8130];
	v2 =	vmov v0  }
0xda: {  	v3 =	vld [tilespmem:s6+$0x8100]  }
0xdb: {  	v4 =	vld [tilespmem:s6+$0x8110]  }
.Ltmp5:
0xdc: {  	v0 =	vld [tilespmem:s6+$0x8120];
	(pc) =	sbr.rel @p0 .LBB2_13-.Ltmp5, $4  }
0xdd: {  	[tilespmem:s0+$0x11720] =	vst.add.f32.msk $0xffff, v2;
	s0 =	smov.u32 s6  }
0xde: {  	[tilespmem:s0+$0x11730] =	vst.add.f32.msk $0xffff, v1  }
0xdf: {  	[tilespmem:s0+$0x11700] =	vst.add.f32.msk $0xffff, v3  }
0xe0: {  	s6 =	sshra.s32 s4, $0x2;
	s4 =	sadd.s32 $0x100, s4;
	[tilespmem:s0+$0x11710] =	vst.add.f32.msk $0xffff, v4  }
0xe1: {  	v1 =	vld [tilespmem:s6+$0x8130]  }
0xe2: {  	v2 =	vld [tilespmem:s6+$0x8100]  }
0xe3: {  	v3 =	vld [tilespmem:s6+$0x8110];
	s1 =	sor.u32 s3, s1  }
0xe4: {  	v4 =	vld [tilespmem:s6+$0x8120];
	s1 =	sshrl.u32 s1, $0x1  }
0xe5: {  	[tilespmem:s0+$0x11720] =	vst.add.f32.msk $0xffff, v0;
	s9 =	smul.u32 $0x3200, s1  }
0xe6: {  	[tilespmem:s6+$0x11730] =	vst.add.f32.msk $0xffff, v1  }
0xe7: {  	s0 =	sshrl.u32 s9, $0x3;
	[tilespmem:s6+$0x11700] =	vst.add.f32.msk $0xffff, v2  }
0xe8: {  	[tilespmem:s6+$0x11710] =	vst.add.f32.msk $0xffff, v3;
	s0 =	sadd.s32 s2, s0  }
0xe9: {  	s10 =	simm.s32 $0x0;
	[tilespmem:s6+$0x11720] =	vst.add.f32.msk $0xffff, v4;
	s0 =	sadd.s32 $0x320, s0  }
0xea: {  	[hbm4b:s0+s10] =	stream.linear.scatter [tilespmem:s17], [sflag:$0xE], $0x1900, $0x38;
	[tilespmem:$0x16200] =	vst v63  }
0xeb: {  	_ =	swait.ge [sflag:s26], $0x1900  }
0xec: {  	[sflag:s26] =	ssyncset.done $0x0  }
0xed: {  	s0 =	simm.s32 $0x0;
	[sflag:s26] =	ssyncadd.s32 $0xFFFFE700  }
0xee: {  	v1 =	vld [tilespmem:s0+$0x6830]  }
0xef: {  	v2 =	vld [tilespmem:s0+$0x6800]  }
0xf0: {  	v3 =	vld [tilespmem:s0+$0x6810]  }
0xf1: {  	v0 =	vld [tilespmem:s0+$0x6820];
	_ =	sdelay $0x1  }
0xf2: {  	[tilespmem:s0+$0x13030] =	vst.add.f32.msk $0xffff, v1  }
0xf3: {  	[tilespmem:s0+$0x13000] =	vst.add.f32.msk $0xffff, v2  }
0xf4: {  	s4 =	simm.s32 $0x200;
	s1 =	simm.s32 $0x40;
	[tilespmem:s0+$0x13010] =	vst.add.f32.msk $0xffff, v3  }
.LBB2_15:
0xf5: {  	p0 =	sne.s32 s4, $0x6300;
	v1 =	vld [tilespmem:s1+$0x6830];
	v2 =	vmov v0  }
0xf6: {  	v3 =	vld [tilespmem:s1+$0x6800]  }
0xf7: {  	v4 =	vld [tilespmem:s1+$0x6810]  }
.Ltmp6:
0xf8: {  	v0 =	vld [tilespmem:s1+$0x6820];
	(pc) =	sbr.rel @p0 .LBB2_15-.Ltmp6, $4  }
0xf9: {  	[tilespmem:s0+$0x13020] =	vst.add.f32.msk $0xffff, v2;
	s0 =	smov.u32 s1  }
0xfa: {  	[tilespmem:s0+$0x13030] =	vst.add.f32.msk $0xffff, v1  }
0xfb: {  	[tilespmem:s0+$0x13000] =	vst.add.f32.msk $0xffff, v3  }
0xfc: {  	s1 =	sshra.s32 s4, $0x2;
	s4 =	sadd.s32 $0x100, s4;
	[tilespmem:s0+$0x13010] =	vst.add.f32.msk $0xffff, v4  }
0xfd: {  	v1 =	vld [tilespmem:s1+$0x6830]  }
0xfe: {  	v2 =	vld [tilespmem:s1+$0x6800]  }
0xff: {  	v3 =	vld [tilespmem:s1+$0x6810]  }
0x100: {  	v4 =	vld [tilespmem:s1+$0x6820]  }
0x101: {  	[tilespmem:s0+$0x13020] =	vst.add.f32.msk $0xffff, v0;
	s10 =	sor.u32 s3, s31  }
0x102: {  	s0 =	sshrl.u32 s10, $0x1;
	[tilespmem:s1+$0x13030] =	vst.add.f32.msk $0xffff, v1  }
0x103: {  	s0 =	smul.u32 $0x640, s0;
	[tilespmem:s1+$0x13000] =	vst.add.f32.msk $0xffff, v2  }
0x104: {  	[tilespmem:s1+$0x13010] =	vst.add.f32.msk $0xffff, v3  }
0x105: {  	s31 =	simm.s32 $0x0;
	s0 =	sadd.s32 s2, s0;
	[tilespmem:s1+$0x13020] =	vst.add.f32.msk $0xffff, v4  }
0x106: {  	[hbm4b:s0+s31] =	stream.linear.scatter [tilespmem:s18], [sflag:$0xF], $0x1900, $0x38;
	[tilespmem:$0x16200] =	vst v63  }
0x107: {  	_ =	swait.ge [sflag:s28], $0x1900  }
0x108: {  	[sflag:s28] =	ssyncset.done $0x0  }
0x109: {  	s0 =	simm.s32 $0x0;
	[sflag:s28] =	ssyncadd.s32 $0xFFFFE700  }
0x10a: {  	v1 =	vld [tilespmem:s0+$0x8130]  }
0x10b: {  	v2 =	vld [tilespmem:s0+$0x8100]  }
0x10c: {  	v3 =	vld [tilespmem:s0+$0x8110]  }
0x10d: {  	v0 =	vld [tilespmem:s0+$0x8120];
	_ =	sdelay $0x1  }
0x10e: {  	[tilespmem:s0+$0x14930] =	vst.add.f32.msk $0xffff, v1  }
0x10f: {  	[tilespmem:s0+$0x14900] =	vst.add.f32.msk $0xffff, v2  }
0x110: {  	s4 =	simm.s32 $0x200;
	s1 =	simm.s32 $0x40;
	[tilespmem:s0+$0x14910] =	vst.add.f32.msk $0xffff, v3  }
.LBB2_17:
0x111: {  	p0 =	sne.s32 s4, $0x6300;
	v1 =	vld [tilespmem:s1+$0x8130];
	v2 =	vmov v0  }
0x112: {  	v3 =	vld [tilespmem:s1+$0x8100]  }
0x113: {  	v4 =	vld [tilespmem:s1+$0x8110]  }
.Ltmp7:
0x114: {  	v0 =	vld [tilespmem:s1+$0x8120];
	(pc) =	sbr.rel @p0 .LBB2_17-.Ltmp7, $4  }
0x115: {  	[tilespmem:s0+$0x14920] =	vst.add.f32.msk $0xffff, v2;
	s0 =	smov.u32 s1  }
0x116: {  	[tilespmem:s0+$0x14930] =	vst.add.f32.msk $0xffff, v1  }
0x117: {  	[tilespmem:s0+$0x14900] =	vst.add.f32.msk $0xffff, v3  }
0x118: {  	s1 =	sshra.s32 s4, $0x2;
	s4 =	sadd.s32 $0x100, s4;
	[tilespmem:s0+$0x14910] =	vst.add.f32.msk $0xffff, v4  }
0x119: {  	v1 =	vld [tilespmem:s1+$0x8130]  }
0x11a: {  	v2 =	vld [tilespmem:s1+$0x8100]  }
0x11b: {  	v3 =	vld [tilespmem:s1+$0x8110];
	s4 =	sor.u32 s3, s30  }
0x11c: {  	v4 =	vld [tilespmem:s1+$0x8120];
	s29 =	sadd.s32 $0x1, s29;
	s4 =	sshrl.u32 s4, $0x1  }
0x11d: {  	[tilespmem:s0+$0x14920] =	vst.add.f32.msk $0xffff, v0;
	p0 =	sne.s32 s29, $0x20;
	s30 =	smul.u32 $0x3200, s4  }
.Ltmp8:
0x11e: {  	[tilespmem:s1+$0x14930] =	vst.add.f32.msk $0xffff, v1;
	(pc) =	sbr.rel @p0 .LBB2_2-.Ltmp8, $4  }
0x11f: {  	s0 =	sshrl.u32 s30, $0x3;
	[tilespmem:s1+$0x14900] =	vst.add.f32.msk $0xffff, v2  }
0x120: {  	[tilespmem:s1+$0x14910] =	vst.add.f32.msk $0xffff, v3;
	s0 =	sadd.s32 s2, s0  }
0x121: {  	s31 =	simm.s32 $0x0;
	[tilespmem:s1+$0x14920] =	vst.add.f32.msk $0xffff, v4;
	s0 =	sadd.s32 $0x320, s0  }
0x122: {  	[hbm4b:s0+s31] =	stream.linear.scatter [tilespmem:s19], [sflag:$0x10], $0x1900, $0x38;
	[tilespmem:$0x16200] =	vst v63  }
0x123: {  	s0 =	simm.s32 $0x9  }
0x124: {  	_ =	swait.ge [sflag:s0], $0x1900  }
0x125: {  	[sflag:s0] =	ssyncset.done $0x0  }
0x126: {  	s7 =	simm.s32 $0xA;
	[sflag:s0] =	ssyncadd.s32 $0xFFFFE700  }
0x127: {  	_ =	swait.ge [sflag:s7], $0x1900  }
0x128: {  	[sflag:s7] =	ssyncset.done $0x0  }
0x129: {  	s8 =	simm.s32 $0xB;
	[sflag:s7] =	ssyncadd.s32 $0xFFFFE700  }
0x12a: {  	_ =	swait.ge [sflag:s8], $0x1900  }
0x12b: {  	[sflag:s8] =	ssyncset.done $0x0  }
0x12c: {  	s9 =	simm.s32 $0xC;
	[sflag:s8] =	ssyncadd.s32 $0xFFFFE700  }
0x12d: {  	_ =	swait.ge [sflag:s9], $0x1900  }
0x12e: {  	[sflag:s9] =	ssyncset.done $0x0  }
0x12f: {  	s10 =	simm.s32 $0xD;
	[sflag:s9] =	ssyncadd.s32 $0xFFFFE700  }
0x130: {  	_ =	swait.ge [sflag:s10], $0x1900  }
0x131: {  	[sflag:s10] =	ssyncset.done $0x0  }
0x132: {  	s29 =	simm.s32 $0xE;
	[sflag:s10] =	ssyncadd.s32 $0xFFFFE700  }
0x133: {  	_ =	swait.ge [sflag:s29], $0x1900  }
0x134: {  	[sflag:s29] =	ssyncset.done $0x0  }
0x135: {  	s30 =	simm.s32 $0xF;
	[sflag:s29] =	ssyncadd.s32 $0xFFFFE700  }
0x136: {  	_ =	swait.ge [sflag:s30], $0x1900  }
0x137: {  	[sflag:s30] =	ssyncset.done $0x0  }
0x138: {  	s1 =	simm.s32 $0x10;
	[sflag:s30] =	ssyncadd.s32 $0xFFFFE700  }
0x139: {  	_ =	swait.ge [sflag:s1], $0x1900  }
0x13a: {  	s4 =	rddreg [dreg:$0x6]  }
0x13b: {  	s31 =	rddreg [dreg:$0x5];
	s4 =	sadd.s32 $0x1, s4  }
0x13c: {  	p0 =	sne.s32 s4, s31  }
.Ltmp9:
0x13d: {  	_ = 	snop;
	(pc) =	sbr.rel @p0 .LBB2_1-.Ltmp9, $3  }
0x13e: {  	_ =	sdelay $0x1  }
0x13f: {  	[sflag:s1] =	ssyncset.done $0x0  }
0x140: {  	[sflag:s1] =	ssyncadd.s32 $0xFFFFE700  }
0x141: {  	_ =	sfence.sel $0x180000  }
0x142: {  	[bflag:$0x0] =	sbarrier.arrive $0xFFFF  }
0x143: {  	_ =	strace $0x90000047  }
0x144: {  	s0 =	stileid.u32;
	[bflag:$0x2] =	sbarrier.arrive $0xFFFF  }
0x145: {  	p0 =	sne.s32 s0, $0x0;
	s0 =	rddreg [dreg:$0x2]  }
0x146: {  	s0 =	sadd.s32 @!p0 $0x100000, s0  }
0x147: {  	[sflag:s0] =	ssyncadd.tile.s32 @!p0 $0x1;
	_ =	shalt  }
.Lfunc_end2:
_tile_overlayer_lowered:
.L_overlay_start_2:
0x148: {  	(tag) =	ssettag $0x2  }
0x149: {  	s0 =	rddreg [dreg:$0x0];
	s2 =	stileid.u32  }
0x14a: {  	s1 =	rddreg [dreg:$0x1];
	p0 =	sne.s32 s2, $0x0  }
0x14b: {  	s3 =	rddreg [dreg:$0x2];
	[bflag:$0x3] =	sbarrier.arrive $0xFFFF;
	s2 =	simm.s32 @!p0 $0x1C11  }
0x14c: {  	[timem:s3], [sflag:s2] =	dma.local @!p0 [hbm:s0], s1  }
0x14d: {  	s0 =	simm.s32 @!p0 $0x11  }
0x14e: {  	_ =	swait.ge @!p0 [sflag:s0], s1  }
0x14f: {  	s1 =	ssub.s32 @!p0 $0x0, s1;
	[sflag:s0] =	ssyncset.done @!p0 $0x0  }
0x150: {  	[sflag:s0] =	ssyncadd.s32 @!p0 s1  }
0x151: {  	[bflag:$0x3] =	sbarrier.arrive $0xFFFF  }
0x152: {  	_ =	shalt  }

// kernel: sparse-core-data-format-call.cloned.1.call-start
scs
called_computation_lowered:
.L_overlay_start_0:
0x0: {  	s2 =	sld [smem:$0x3FD9]  }
0x1: {  	s3 =	sld [smem:$0x3FFE];
	_ =	sdelay $0x1  }
0x2: {  	s1 =	srdreg.scid  }
0x3: {  	s0 =	sand.u32 $0x1, s1  }
0x4: {  	s18 =	sshll.u32 s0, $0xA;
	s2 =	sadd.s32 s3, s2  }
0x5: {  	s2 =	sadd.s32 s2, s18  }
0x6: {  	[smem:$0x3FC5] =	sst s2  }
0x7: {  	_ = 	snop  }
0x8: {  	s2 =	sld [smem:$0x3FD0];
	(tm) =	ssettm $0x1  }
0x9: {  	s19 =	sld [smem:$0x3FFB];
	_ =	sdelay $0x3  }
0xa: {  	_ =	strace s19  }
0xb: {  	s3 =	sld [smem:$0x3FFC];
	_ =	sdelay $0x3  }
0xc: {  	_ =	strace s3  }
0xd: {  	s3 =	sld [smem:$0x3FFD];
	_ =	sdelay $0x3  }
0xe: {  	_ =	strace s3  }
0xf: {  	_ =	strace $0x8FFFFFFF  }
0x10: {  	s20 =	sld [smem:$0x3FDB];
	_ =	sdelay $0x1  }
0x11: {  	s4 =	simm.s32 $_scs_section_size  }
0x12: {  	s5 =	simm.s32 $_size__tile_overlayer_lowered;
	s6 =	simm.s32 $_tile_overlayer_lowered  }
0x13: {  	s23 =	simm.s32 $0x1BFF;
	s22 =	sshll.u32 s6, $0x1;
	s3 =	sadd.s32 s4, s20  }
0x14: {  	s7 =	simm.s32 $0x0;
	s21 =	sshll.u32 s5, $0x1;
	s5 =	sadd.s32 s22, s3  }
0x15: {  	[timem:s7], [sflag:s23] =	dma.local [hbm:s5], s21  }
0x16: {  	_ =	swait.ge [sflag:s23], s21  }
0x17: {  	s4 =	ssub.s32 $0x0, s21;
	[sflag:s23] =	ssyncset.done $0x0  }
0x18: {  	[sflag:s23] =	ssyncadd.s32 s4;
	_ =	sdelay $0x1  }
0x19: {  	s24 =	simm.s32 $0x1B8B  }
0x1a: {  	_ =	swait.ge [sflag:s24], $0x1  }
0x1b: {  	[sflag:s24] =	ssyncset.done $0x0  }
0x1c: {  	s26 =	simm.s32 $0x1B8E;
	s25 =	sld [smem:$0x3FFE];
	[sflag:s24] =	ssyncadd.s32 $0xFFFFFFFF  }
0x1d: {  	s27 =	simm.s32 $execute0_lowered;
	[smem:$0x3FD2] =	sst s26  }
0x1e: {  	s5 =	sshll.u32 s27, $0x1;
	_ =	strace $0x80000049;
	[dreg:$0x1] =	wrdreg $0xFFFFFFFF  }
0x1f: {  	s28 =	simm.s32 $_size_execute0_lowered;
	s3 =	sadd.s32 s3, s5;
	[dreg:$0x0] =	wrdreg $0x0  }
0x20: {  	s5 =	sshll.u32 s28, $0x1;
	[dreg:$0x2] =	wrdreg s3  }
0x21: {  	[dreg:$0x3] =	wrdreg s5  }
0x22: {  	[dreg:$0x4] =	wrdreg $0xC0  }
0x23: {  	_ =	task [dreg:s7], $0x5FFFF  }
0x24: {  	[dreg:$0x1] =	wrdreg $0xFFFFFFFF  }
0x25: {  	[dreg:$0x0] =	wrdreg $0x60  }
0x26: {  	[dreg:$0x2] =	wrdreg s25  }
0x27: {  	[dreg:$0x3] =	wrdreg s2  }
0x28: {  	[dreg:$0x4] =	wrdreg $0x9  }
0x29: {  	_ =	task.clear_ibuf [dreg:s7], $0x5FFFF;
	_ =	strace $0x90000049  }
0x2a: {  	s29 =	simm.s32 $0x9;
	_ =	strace $0x8000004B  }
0x2b: {  	_ =	swait.ge [sflag:s29], $0x1  }
0x2c: {  	[sflag:s29] =	ssyncadd.s32 $0xFFFFFFFF  }
0x2d: {  	_ =	strace $0x9000004B  }
0x2e: {  	_ =	sfence  }
0x2f: {  	s30 =	sld [smem:$0x0];
	_ =	sdelay $0x2  }
0x30: {  	s31 =	sshll.u32 s1, $0xD;
	s1 =	sshrl.u32 s1, $0x2  }
0x31: {  	s3 =	sand.u32 $0x4000, s31;
	s1 =	sadd.s32 s1, s30  }
0x32: {  	s0 =	sor.u32 s3, s0;
	s1 =	sshll.u32 s1, $0x11  }
0x33: {  	s0 =	sor.u32 s1, s0  }
0x34: {  	s0 =	sadd.s32 $0x8F2B, s0  }
0x35: {  	[sflag:s0] =	ssyncadd.remote.s32 $0x1  }
0x36: {  	_ =	sfence.sel $0xFFFF  }
0x37: {  	[dreg:$0x0] =	wrdreg $0xFFFFFFFF;
	(pc) =	sbr.abs _section_cstart, $3  }
0x38: {  	[dreg:$0x1] =	wrdreg $0xFFFFFFFF  }
0x39: {  	_ =	task.clear_ibuf [dreg:s7], $0x2FFFF;
	_ =	strace $0x9FFFFFFF  }
0x3a: {  	(tm) =	ssettm $0x7FFFFFFF  }
0x3b: {  	_ =	shalt  }
tec
execute0_lowered:
.L_overlay_start_1:
0x0: {  	(tag) =	ssettag $0x1  }
0x1: {  	s0 =	srdreg.scid  }
0x2: {  	s1 =	sshll.u32 s0, $0x4  }
0x3: {  	s0 =	stileid.u32;
	s1 =	sand.u32 $0x10, s1  }
0x4: {  	s1 =	sor.u32 s0, s1  }
0x5: {  	s6 =	rddreg [dreg:$0x0];
	s4 =	simm.s32 $0x1;
	s2 =	sshll.u32 s1, $0x7  }
0x6: {  	s7 =	simm.s32 $0x2;
	s12 =	simm.s32 $0x0;
	s1 =	ssub.s32 $0x1000, s2  }
0x7: {  	s8 =	simm.s32 $0x8000;
	s13 =	simm.s32 $0x0;
	s3 =	sand.u32 $0xF80, s1  }
0x8: {  	s9 =	simm.s32 $0x0;
	s5 =	sshrl.u32 s1, $0xC;
	p0 =	sne.s32 s3, $0x0  }
.Ltmp0:
0x9: {  	s1 =	rddreg [dreg:$0x2];
	s4 =	simm.s32 @!p0 $0x0;
	(pc) =	sbr.rel .LBB1_1-.Ltmp0, $4  }
0xa: {  	s11 =	simm.s32 $0x0;
	s3 =	rddreg [dreg:$0x1];
	s5 =	sadd.s32 s4, s5  }
0xb: {  	_ =	strace $0x8000004A;
	s4 =	simm.s32 $0x1;
	s5 =	smul.u32 $0xC8, s5  }
0xc: {  	s6 =	sadd.s32 $0xC00, s6;
	s10 =	smov.u32 s2;
	[sflag:s4] =	ssyncpa.u1 $0x0  }
0xd: {  	p0 =	por $0x0, $0x0;
	[sflag:s7] =	ssyncpa.u1 $0x0;
	s7 =	sor.u32 $0x1, s5  }
.LBB1_4:
0xe: {  	s16 =	sshll.u32 s13, $0x3;
	s17 =	sand.u32 $0x78, s13  }
0xf: {  	s30 =	sand.u32 $0x7E00, s13;
	s12 =	sshll.u32 s12, $0xF;
	s16 =	sand.u32 $0xC00, s16  }
0x10: {  	[tilespmem:s15+$0x810 ss:$0x81] =	vst.msk $0xffff, v2;
	s31 =	sand.u32 $0x7, s13;
	s16 =	sor.u32 s17, s16;
	s17 =	sadd.s32 s3, s30  }
0x11: {  	[tilespmem:s15+$0x1020 ss:$0x81] =	vst.msk $0xffff, v0;
	s13 =	sshll.u32 s31, $0x12;
	s12 =	sadd.s32 s12, s17;
	s16 =	sshrl.u32 s16, $0x3  }
0x12: {  	[tilespmem:s15+$0x0 ss:$0x81] =	vst.msk $0xffff, v1;
	s13 =	sor.u32 $0x400, s13;
	s12 =	sadd.s32 s16, s12  }
0x13: {  	[hbm4b:s12+s13] =	stream.strided.scatter [tilespmem:s14], [sflag:$0x2], $0x2000, s8, s13, $0x20;
	[tilespmem:$0x8080] =	vst v63  }
.LBB1_5:
0x14: {  	s14 =	sadd.s32 $0x1, s9  }
0x15: {  	s12 =	sadd.s32 $0x1000, s10;
	s16 =	smov.u32 s10;
	p2 =	sgt.s32 s14, $0xC7  }
0x16: {  	s16 =	smov.u32 @p2 s12  }
0x17: {  	s14 =	simm.s32 @p2 $0x0;
	p2 =	sgt.s32 s16, $0xFFF  }
0x18: {  	s16 =	smov.u32 @p2 s2;
	p2 =	sne.s32 s11, s7  }
.Ltmp1:
0x19: {  	p1 =	slt.u32 s11, $0x2;
	(pc) =	sbr.rel @!p2 .LBB1_6-.Ltmp1, $4  }
0x1a: {  	s15 =	simm.s32 @!p1 $0x2  }
0x1b: {  	s13 =	smov.u32 s10;
	p0 =	por !p0, !p0;
	_ =	swait.ge @!p1 [sflag:s15], $0x2000  }
0x1c: {  	s12 =	smov.u32 s9;
	[sflag:s15] =	ssyncset.done @!p1 $0x0;
	s9 =	smov.u32 s14  }
0x1d: {  	s11 =	sadd.s32 $0x1, s11;
	[sflag:s15] =	ssyncadd.s32 @!p1 $0xFFFFE000;
	s10 =	smov.u32 s16  }
.LBB1_1:
0x1e: {  	p1 =	sge.u32 s11, s5  }
0x1f: {  	s14 =	sand.u32 @!p1 $0x1FFFFFF, s9  }
0x20: {  	s15 =	smulhi.u32 @!p1 $0x147AE15, s14;
	_ =	sdelay $0x1  }
0x21: {  	s15 =	smul.u32 @!p1 $0xC8, s15  }
0x22: {  	s16 =	sxor.u32 @!p1 $0xFFFFFFFF, s11;
	s17 =	smul.u32 @!p1 $0xC80, s10  }
0x23: {  	s31 =	sadd.s32 $0xFFFFFFFF, s11;
	s16 =	sshll.u32 @!p1 s16, $0xD;
	s14 =	ssub.s32 @!p1 s14, s15  }
0x24: {  	s15 =	sand.u32 @!p1 $0x2000, s16;
	s16 =	sadd.s32 @!p1 s6, s17;
	s14 =	sshll.u32 @!p1 s14, $0x4  }
0x25: {  	s17 =	simm.s32 @!p1 $0x6400;
	s14 =	sadd.s32 @!p1 s14, s16;
	s16 =	simm.s32 @!p1 $0x40  }
0x26: {  	[tilespmem:s15], [sflag:$0x1] =	stream.strided.gather @!p1 [hbm4b:s14+s16], $0x2000, s17, s16, $0x38;
	[tilespmem:$0x8080] =	vst v63  }
0x27: {  	p1 =	sge.u32 s31, s5  }
.Ltmp2:
0x28: {  	_ = 	snop;
	(pc) =	sbr.rel @p1 .LBB1_5-.Ltmp2, $1  }
0x29: {  	_ =	sdelay $0x3  }
0x2a: {  	s14 =	simm.s32 $0x1  }
0x2b: {  	_ =	swait.ge [sflag:s4], $0x2000;
	s14 =	simm.s32 @!p0 $0x0  }
0x2c: {  	[sflag:s4] =	ssyncset.done $0x0;
	s15 =	sshll.u32 s14, $0xD  }
0x2d: {  	[sflag:s4] =	ssyncadd.s32 $0xFFFFE000;
	s18 =	sor.u32 $0x20, s15  }
0x2e: {  	s14 =	smul.u32 $0x8100, s14;
	v3 =	vld [tilespmem:s18+$0x10]  }
0x2f: {  	s30 =	sand.u32 $0x1, s11;
	v2 =	vld [tilespmem:s18+$0xFFFFFFF0]  }
0x30: {  	s15 =	smul.u32 $0x8100, s30;
	s14 =	sshrl.u32 s14, $0x2;
	v0 =	vld [tilespmem:s18+$0x0]  }
0x31: {  	v1 =	vld [tilespmem:s18+$0xFFFFFFE0];
	s16 =	sor.u32 $0x4000, s14  }
0x32: {  	s31 =	sshrl.u32 s15, $0x2;
	s15 =	sadd.s32 $0x0, s16  }
0x33: {  	s17 =	simm.s32 $0x4;
	s18 =	sadd.s32 $0x40, s18;
	s14 =	sor.u32 $0x4000, s31;
	[tilespmem:s15+$0x1830 ss:$0x81] =	vst.msk $0xffff, v3  }
.LBB1_3:
0x34: {  	v3 =	vld [tilespmem:s18+$0x10];
	p1 =	sne.s32 s17, $0x1FC;
	[tilespmem:s15+$0x810 ss:$0x81] =	vst.msk $0xffff, v2;
	s19 =	smov.u32 s17;
	s17 =	sadd.s32 $0x4, s17  }
.Ltmp3:
0x35: {  	v2 =	vld [tilespmem:s18+$0xFFFFFFF0];
	[tilespmem:s15+$0x1020 ss:$0x81] =	vst.msk $0xffff, v0;
	(pc) =	sbr.rel @p1 .LBB1_3-.Ltmp3, $4  }
0x36: {  	v0 =	vld [tilespmem:s18+$0x0];
	[tilespmem:s15+$0x0 ss:$0x81] =	vst.msk $0xffff, v1  }
0x37: {  	s15 =	sshra.s32 s19, $0x2;
	v1 =	vld [tilespmem:s18+$0xFFFFFFE0]  }
0x38: {  	s15 =	sadd.s32 s15, s16  }
0x39: {  	s18 =	sadd.s32 $0x40, s18;
	[tilespmem:s15+$0x1830 ss:$0x81] =	vst.msk $0xffff, v3  }
.Ltmp4:
0x3a: {  	_ = 	snop;
	(pc) =	sbr.rel .LBB1_4-.Ltmp4, $1  }
0x3b: {  	_ =	sdelay $0x3  }
.LBB1_6:
0x3c: {  	_ =	sfence.sel $0x180000  }
0x3d: {  	s2 =	simm.s32 $0x1;
	[bflag:$0x0] =	sbarrier.arrive $0xFFFF  }
0x3e: {  	s31 =	simm.s32 $0x2;
	[sflag:s2] =	ssyncpa.u1 $0x1  }
0x3f: {  	[sflag:s31] =	ssyncpa.u1 $0x1  }
0x40: {  	p0 =	sne.s32 s0, $0x0;
	_ =	strace $0x9000004A  }
0x41: {  	s0 =	sadd.s32 @!p0 $0x100000, s1;
	[bflag:$0x2] =	sbarrier.arrive $0xFFFF  }
0x42: {  	[sflag:s0] =	ssyncadd.tile.s32 @!p0 $0x1;
	_ =	shalt  }
.Lfunc_end1:
_tile_overlayer_lowered:
.L_overlay_start_2:
0x43: {  	(tag) =	ssettag $0x2  }
0x44: {  	s0 =	rddreg [dreg:$0x0];
	s2 =	stileid.u32  }
0x45: {  	s1 =	rddreg [dreg:$0x1];
	p0 =	sne.s32 s2, $0x0  }
0x46: {  	s3 =	rddreg [dreg:$0x2];
	[bflag:$0x3] =	sbarrier.arrive $0xFFFF;
	s2 =	simm.s32 @!p0 $0x1C01  }
0x47: {  	[timem:s3], [sflag:s2] =	dma.local @!p0 [hbm:s0], s1  }
0x48: {  	s0 =	simm.s32 @!p0 $0x1  }
0x49: {  	_ =	swait.ge @!p0 [sflag:s0], s1  }
0x4a: {  	s1 =	ssub.s32 @!p0 $0x0, s1;
	[sflag:s0] =	ssyncset.done @!p0 $0x0  }
0x4b: {  	[sflag:s0] =	ssyncadd.s32 @!p0 s1  }
0x4c: {  	[bflag:$0x3] =	sbarrier.arrive $0xFFFF  }
0x4d: {  	_ =	shalt  }

</sc_bundles>
